<compile_context>
chip_gen: v7x
topology: tpu7x:2x2x1
jax: 0.10.2.dev20260603
libtpu: 0.0.44.dev20260713+nightly
codegen_flags: <defaults>
</compile_context>

<pallas_src>
import functools

import jax
import jax.numpy as jnp
from jax import lax
from jax.experimental import pallas as pl
from jax.experimental.pallas import tpu as pltpu
import jax.experimental.pallas.tpu_sc as plsc

N = 100000
NSEG = 1024
LAT = 128
NC, NS = 2, 16
NW = NC * NS
BLK = 128
NFULL = N // BLK
TAIL = N - NFULL * BLK
TRIPS = 25
BASE_Q, BASE_R = divmod(NFULL, NW)
ZR = NSEG // NS
CW = 16
NBUF = 4
LOOKAHEAD = 3

_f32 = jnp.float32


def _sc_body(z_hbm, ids_hbm, part_out, cnt_out,
             bufs, trows_v, idx_all, tidx_v, ones_v, zrow_v, zc_v, cntv_v,
             acc_s, cnt_s,
             isem, lsems, ssems, csem):
    cid = lax.axis_index("c")
    sid = lax.axis_index("s")
    wid = sid * NC + cid
    nb = jnp.where(wid < BASE_R, BASE_Q + 1, BASE_Q)
    base = wid * BASE_Q + jnp.minimum(wid, BASE_R)

    def _fill_rows(i, _):
        zrow_v[i // 8, pl.ds((i % 8) * 16, 16)] = jnp.zeros((16,), _f32)
        return 0
    lax.fori_loop(0, ZR * 8, _fill_rows, 0)

    def _fill_zc(i, _):
        zc_v[i, :] = jnp.zeros((16,), _f32)
        return 0
    lax.fori_loop(0, ZR, _fill_zc, 0)

    def _fill_ones(i, _):
        ones_v[i, :] = jnp.ones((16,), _f32)
        return 0
    lax.fori_loop(0, BLK, _fill_ones, 0)

    base_off = pl.multiple_of(base * BLK, BLK)

    def _load_desc(t, j):
        off = pl.multiple_of(base_off + t * BLK, 8)
        return pltpu.make_async_copy(z_hbm.at[pl.ds(off, BLK), :],
                                     bufs[j], lsems[j])

    def _scat_desc(t, j):
        return pltpu.make_async_copy(bufs[j], acc_s.at[idx_all.at[t]],
                                     ssems[j])

    def _cnt_desc(t):
        return pltpu.make_async_copy(ones_v, cnt_s.at[idx_all.at[t]], csem)

    ids_desc = [
        pltpu.make_async_copy(
            ids_hbm.at[pl.ds(pl.multiple_of(base_off + t * BLK, 8), BLK)],
            idx_all.at[t], isem)
        for t in range(TRIPS)
    ]
    for t in range(TRIPS):
        ids_desc[t].start()
    for t in range(LOOKAHEAD):
        _load_desc(t, t % NBUF).start()

    pltpu.sync_copy(zrow_v, acc_s.at[pl.ds(sid * ZR, ZR), :])
    pltpu.sync_copy(zc_v, cnt_s.at[pl.ds(sid * ZR, ZR), :])
    plsc.subcore_barrier()
    for t in range(TRIPS):
        ids_desc[t].wait()

    NGRP = (TRIPS + NBUF) // NBUF + (1 if (TRIPS + NBUF) % NBUF else 0)

    def _group(g, _):
        t0 = g * NBUF
        for j in range(NBUF):
            t = t0 + j

            @pl.when(jnp.logical_and(t >= 1, t - 1 < nb))
            def _():
                _scat_desc(t - 1, (j - 1) % NBUF).wait()

            u = t + LOOKAHEAD

            @pl.when(u < nb)
            def _():
                _load_desc(u, (j + LOOKAHEAD) % NBUF).start()

            @pl.when(t < nb)
            def _():
                _load_desc(t, j).wait()
                _cnt_desc(t).start(add=True)
                _scat_desc(t, j).start(add=True)

        return 0

    lax.fori_loop(0, NGRP, _group, 0)

    def _cnt_drain(t, _):
        _cnt_desc(0).wait()
        return 0

    lax.fori_loop(0, nb, _cnt_drain, 0)

    @pl.when(wid == NW - 1)
    def _tail():
        pltpu.sync_copy(ids_hbm.at[pl.ds(NFULL * BLK, TAIL)], tidx_v)
        pltpu.sync_copy(z_hbm.at[pl.ds(NFULL * BLK, TAIL), :], trows_v)
        pltpu.sync_copy(trows_v, acc_s.at[tidx_v], add=True)
        pltpu.sync_copy(ones_v.at[pl.ds(0, TAIL), :], cnt_s.at[tidx_v],
                        add=True)

    plsc.subcore_barrier()

    pltpu.sync_copy(acc_s.at[pl.ds(sid * ZR, ZR), :],
                    part_out.at[cid, pl.ds(sid * ZR, ZR), :])
    pltpu.sync_copy(cnt_s.at[pl.ds(sid * ZR, ZR), :], cntv_v)

    def _bcast(r, _):
        row = jnp.full((16,), cntv_v[r, :][0], _f32)
        for k in range(LAT // 16):
            zrow_v[r, pl.ds(k * 16, 16)] = row
        return 0

    lax.fori_loop(0, ZR, _bcast, 0)
    pltpu.sync_copy(zrow_v, cnt_out.at[cid, pl.ds(sid * ZR, ZR), :])


def _sc_entry(z_hbm, ids_hbm, part_out, cnt_out,
              b0, b1, b2, b3, trows_v, idx_all, tidx_v, ones_v, zrow_v,
              zc_v, cntv_v, acc_s, cnt_s, isem, l0, l1, l2, l3, s0, s1,
              s2, s3, csem):
    _sc_body(z_hbm, ids_hbm, part_out, cnt_out,
             (b0, b1, b2, b3), trows_v, idx_all, tidx_v, ones_v, zrow_v,
             zc_v, cntv_v, acc_s, cnt_s,
             isem, (l0, l1, l2, l3), (s0, s1, s2, s3), csem)


_sc_segment_sum = functools.partial(
    pl.kernel,
    out_type=(jax.ShapeDtypeStruct((NC, NSEG, LAT), _f32),
              jax.ShapeDtypeStruct((NC, NSEG, LAT), _f32)),
    mesh=plsc.VectorSubcoreMesh(core_axis_name="c", subcore_axis_name="s",
                                num_cores=NC, num_subcores=NS),
    compiler_params=pltpu.CompilerParams(use_tc_tiling_on_sc=False),
    scratch_types=[
        pltpu.VMEM((BLK, LAT), _f32),
        pltpu.VMEM((BLK, LAT), _f32),
        pltpu.VMEM((BLK, LAT), _f32),
        pltpu.VMEM((BLK, LAT), _f32),
        pltpu.VMEM((TAIL, LAT), _f32),
        pltpu.VMEM((TRIPS, BLK), jnp.int32),
        pltpu.VMEM((TAIL,), jnp.int32),
        pltpu.VMEM((BLK, CW), _f32),
        pltpu.VMEM((ZR, LAT), _f32),
        pltpu.VMEM((ZR, CW), _f32),
        pltpu.VMEM((ZR, CW), _f32),
        pltpu.VMEM_SHARED((NSEG, LAT), _f32),
        pltpu.VMEM_SHARED((NSEG, CW), _f32),
        pltpu.SemaphoreType.DMA,
        pltpu.SemaphoreType.DMA,
        pltpu.SemaphoreType.DMA,
        pltpu.SemaphoreType.DMA,
        pltpu.SemaphoreType.DMA,
        pltpu.SemaphoreType.DMA,
        pltpu.SemaphoreType.DMA,
        pltpu.SemaphoreType.DMA,
        pltpu.SemaphoreType.DMA,
        pltpu.SemaphoreType.DMA,
    ],
)(_sc_entry)


def _mlp_body(part_ref, cnt_ref, w1_ref, b1_ref, w2_ref, b2_ref, w3_ref,
              b3_ref, out_ref):
    summed = part_ref[0] + part_ref[1]
    counts = cnt_ref[0] + cnt_ref[1]
    pooled = summed / counts
    h = jnp.dot(pooled, w1_ref[...], preferred_element_type=_f32) + b1_ref[...]
    h = h * (1.0 / (1.0 + jnp.exp(-h)))
    h = jnp.dot(h, w2_ref[...], preferred_element_type=_f32) + b2_ref[...]
    h = h * (1.0 / (1.0 + jnp.exp(-h)))
    out = jnp.sum(h * w3_ref[...], axis=1) + b3_ref[0, 0]
    out_ref[...] = out


_mlp = pl.pallas_call(
    _mlp_body,
    out_shape=jax.ShapeDtypeStruct((NSEG,), _f32),
)


def kernel(z, batch, W1, b1, W2, b2, W3, b3):
    ids = batch.astype(jnp.int32)
    part, cnt = _sc_segment_sum(z, ids)
    return _mlp(part, cnt, W1, b1.reshape(1, LAT), W2, b2.reshape(1, 64),
                W3.reshape(1, 64), b3.reshape(1, 1))

# --- scband reference (transcript-rebuilt; emitter-appended) ---
"""Pipeline reference for scband-predictor-38809324486724 (READ-ONLY COPY).

The authoritative reference and input builder live on the scoring server;
editing this copy changes nothing except your own understanding.
"""

import jax, jax.numpy as jnp
import numpy as np

LATENT = 128
N = 100000
NSEG = 1024

def setup_inputs(seed: int = 0) -> dict:
    key = jax.random.key(seed)
    k = jax.random.split(key, 8)
    z = jax.random.normal(k[0], (N, LATENT), dtype=jnp.float32)
    batch = jnp.sort(jax.random.randint(k[1], (N,), 0, NSEG, dtype=jnp.int64))
    batch = batch.at[-1].set(NSEG - 1)  # guarantee max segment id present
    # MLP params per init: Linear(latent,128) -> SiLU -> Linear(128,64) -> SiLU -> Linear(64,1)
    W1 = jax.random.normal(k[2], (LATENT, 128), dtype=jnp.float32) * (1.0 / np.sqrt(LATENT))
    b1 = jnp.zeros((128,), dtype=jnp.float32)
    W2 = jax.random.normal(k[3], (128, 64), dtype=jnp.float32) * (1.0 / np.sqrt(128))
    b2 = jnp.zeros((64,), dtype=jnp.float32)
    W3 = jax.random.normal(k[4], (64, 1), dtype=jnp.float32) * (1.0 / np.sqrt(64))
    b3 = jnp.zeros((1,), dtype=jnp.float32)
    return {"z": z, "batch": batch, "W1": W1, "b1": b1, "W2": W2, "b2": b2, "W3": W3, "b3": b3}

def reference(z, batch, W1, b1, W2, b2, W3, b3):
    num_segments = NSEG
    summed = jax.ops.segment_sum(z, batch, num_segments=num_segments)
    counts = jnp.bincount(batch, minlength=num_segments, length=num_segments).astype(z.dtype)
    pooled = summed / counts[:, None]
    h = jax.nn.silu(pooled @ W1 + b1)
    h = jax.nn.silu(h @ W2 + b2)
    out = (h @ W3 + b3)
    return jnp.squeeze(out, axis=-1)

if __name__ == "__main__":
    import jax
    _d = setup_inputs()
    print(jax.jit(kernel)(*tuple(_d.values())))

</pallas_src>

<mosaic_0001>
#map = affine_map<(d0, d1) -> (0, 0)>
#map1 = affine_map<(d0, d1) -> (0)>
#map2 = affine_map<(d0, d1) -> (0, 0, 0)>
module attributes {stable_mosaic.version = 14 : i64} {
  func.func @_sc_entry(%arg0: i32, %arg1: i32, %arg2: memref<100000x128xf32, #tpu.memory_space<hbm>>, %arg3: memref<100000xi32, #tpu.memory_space<hbm>>, %arg4: memref<2x1024x128xf32, #tpu.memory_space<hbm>>, %arg5: memref<2x1024x128xf32, #tpu.memory_space<hbm>>, %arg6: memref<128x128xf32, #tpu.memory_space<vmem>>, %arg7: memref<128x128xf32, #tpu.memory_space<vmem>>, %arg8: memref<128x128xf32, #tpu.memory_space<vmem>>, %arg9: memref<128x128xf32, #tpu.memory_space<vmem>>, %arg10: memref<32x128xf32, #tpu.memory_space<vmem>>, %arg11: memref<25x128xi32, #tpu.memory_space<vmem>>, %arg12: memref<32xi32, #tpu.memory_space<vmem>>, %arg13: memref<128x16xf32, #tpu.memory_space<vmem>>, %arg14: memref<64x128xf32, #tpu.memory_space<vmem>>, %arg15: memref<64x16xf32, #tpu.memory_space<vmem>>, %arg16: memref<64x16xf32, #tpu.memory_space<vmem>>, %arg17: memref<1024x128xf32, #tpu.memory_space<vmem_shared>>, %arg18: memref<1024x16xf32, #tpu.memory_space<vmem_shared>>, %arg19: memref<!tpu.dma_semaphore, #tpu.memory_space<semaphore_mem>>, %arg20: memref<!tpu.dma_semaphore, #tpu.memory_space<semaphore_mem>>, %arg21: memref<!tpu.dma_semaphore, #tpu.memory_space<semaphore_mem>>, %arg22: memref<!tpu.dma_semaphore, #tpu.memory_space<semaphore_mem>>, %arg23: memref<!tpu.dma_semaphore, #tpu.memory_space<semaphore_mem>>, %arg24: memref<!tpu.dma_semaphore, #tpu.memory_space<semaphore_mem>>, %arg25: memref<!tpu.dma_semaphore, #tpu.memory_space<semaphore_mem>>, %arg26: memref<!tpu.dma_semaphore, #tpu.memory_space<semaphore_mem>>, %arg27: memref<!tpu.dma_semaphore, #tpu.memory_space<semaphore_mem>>, %arg28: memref<!tpu.dma_semaphore, #tpu.memory_space<semaphore_mem>>) attributes {dimension_semantics = [#tpu.dimension_semantics<core_parallel>, #tpu.dimension_semantics<subcore_parallel>], iteration_bounds = array<i64: 2, 16>, scalar_prefetch = 0 : i64, scratch_operands = 23 : i64, tpu.core_type = #tpu.core_type<sc_vector_subcore>, window_params = [{transform_indices = #map}, {transform_indices = #map1}, {transform_indices = #map2}, {transform_indices = #map2}]} {
    %mul3A = arith.constant 2 : i32
    %mul3A_0 = arith.muli %arg1, %mul3A : i32
    %add3A = arith.addi %mul3A_0, %arg0 : i32
    %lt3A = arith.constant 13 : i32
    %lt3A_1 = arith.cmpi slt, %add3A, %lt3A : i32
    %jit3A = arith.constant 25 : i32
    %jit3A_2 = arith.constant 24 : i32
    %select_n3A = arith.select %lt3A_1, %jit3A, %jit3A_2 : i32
    %mul3A_3 = arith.constant 24 : i32
    %mul3A_4 = arith.muli %add3A, %mul3A_3 : i32
    %min3A = arith.constant 13 : i32
    %min3A_5 = arith.minsi %add3A, %min3A : i32
    %add3A_6 = arith.addi %mul3A_4, %min3A_5 : i32
    %scan3A = arith.constant 0 : i32
    %scan3A_7 = arith.constant 0 : i32
    %scan3A_8 = arith.constant 512 : i32
    %scan3A_9 = arith.addi %scan3A_7, %scan3A_8 : i32
    %scan3A_10 = arith.constant 1 : i32
    %scan3A_11 = scf.for %scan3A_613 = %scan3A_7 to %scan3A_9 step %scan3A_10 iter_args(%scan3A_614 = %scan3A) -> (i32)  : i32 {
      %broadcast_in_dim3A = arith.constant 0.000000e+00 : f32
      %broadcast_in_dim3A_615 = vector.broadcast %broadcast_in_dim3A : f32 to vector<16xf32>
      %jit3A_616 = arith.constant 8 : i32
      %div3A = arith.divsi %scan3A_613, %jit3A_616 : i32
      %sign3A = arith.constant 0 : i32
      %sign3A_617 = arith.cmpi sgt, %scan3A_613, %sign3A : i32
      %sign3A_618 = arith.extui %sign3A_617 : i1 to i32
      %sign3A_619 = arith.constant 0 : i32
      %sign3A_620 = arith.cmpi slt, %scan3A_613, %sign3A_619 : i32
      %sign3A_621 = arith.extui %sign3A_620 : i1 to i32
      %sign3A_622 = arith.subi %sign3A_618, %sign3A_621 : i32
      %sign3A_623 = arith.constant 0 : i32
      %sign3A_624 = arith.cmpi sgt, %jit3A_616, %sign3A_623 : i32
      %sign3A_625 = arith.extui %sign3A_624 : i1 to i32
      %sign3A_626 = arith.constant 0 : i32
      %sign3A_627 = arith.cmpi slt, %jit3A_616, %sign3A_626 : i32
      %sign3A_628 = arith.extui %sign3A_627 : i1 to i32
      %sign3A_629 = arith.subi %sign3A_625, %sign3A_628 : i32
      %ne3A = arith.cmpi ne, %sign3A_622, %sign3A_629 : i32
      %rem3A = arith.remsi %scan3A_613, %jit3A_616 : i32
      %ne3A_630 = arith.constant 0 : i32
      %ne3A_631 = arith.cmpi ne, %rem3A, %ne3A_630 : i32
      %and3A = arith.andi %ne3A, %ne3A_631 : i1
      %sub3A = arith.constant 1 : i32
      %sub3A_632 = arith.subi %div3A, %sub3A : i32
      %select_n3A_633 = arith.select %and3A, %sub3A_632, %div3A : i32
      %jit3A_634 = arith.constant 8 : i32
      %eq3A_635 = arith.constant 0 : i32
      %eq3A_636 = arith.cmpi eq, %jit3A_634, %eq3A_635 : i32
      %jit3A_637 = arith.constant 1 : i32
      %select_n3A_638 = arith.select %eq3A_636, %jit3A_637, %jit3A_634 : i32
      %rem3A_639 = arith.remsi %scan3A_613, %select_n3A_638 : i32
      %ne3A_640 = arith.constant 0 : i32
      %ne3A_641 = arith.cmpi ne, %rem3A_639, %ne3A_640 : i32
      %lt3A_642 = arith.constant 0 : i32
      %lt3A_643 = arith.cmpi slt, %rem3A_639, %lt3A_642 : i32
      %lt3A_644 = arith.constant 0 : i32
      %lt3A_645 = arith.cmpi slt, %select_n3A_638, %lt3A_644 : i32
      %ne3A_646 = arith.xori %lt3A_643, %lt3A_645 : i1
      %and3A_647 = arith.andi %ne3A_646, %ne3A_641 : i1
      %add3A_648 = arith.addi %rem3A_639, %select_n3A_638 : i32
      %select_n3A_649 = arith.select %and3A_647, %add3A_648, %rem3A_639 : i32
      %mul3A_650 = arith.constant 16 : i32
      %mul3A_651 = arith.muli %select_n3A_649, %mul3A_650 : i32
      %swap3A = arith.index_cast %select_n3A_633 : i32 to index
      %swap3A_652 = arith.index_cast %mul3A_651 : i32 to index
      %swap3A_653 = tpu.vector_load %arg14[%swap3A, %swap3A_652] {strides = array<i32>} : memref<64x128xf32, #tpu.memory_space<vmem>>, vector<1x16xf32>,
      %swap3A_654 = vector.shape_cast %swap3A_653 : vector<1x16xf32> to vector<16xf32>
      %swap3A_655 = vector.shape_cast %broadcast_in_dim3A_615 : vector<16xf32> to vector<1x16xf32>
      tpu.vector_store %arg14[%swap3A, %swap3A_652], %swap3A_655 {strides = array<i32>} : memref<64x128xf32, #tpu.memory_space<vmem>>, vector<1x16xf32>,
      %scan3A_656 = arith.constant 0 : i32
      scf.yield %scan3A_656 : i32
    }
    %scan3A_12 = arith.constant 512 : i32
    %scan3A_13 = arith.constant 0 : i32
    %scan3A_14 = arith.constant 0 : i32
    %scan3A_15 = arith.constant 64 : i32
    %scan3A_16 = arith.addi %scan3A_14, %scan3A_15 : i32
    %scan3A_17 = arith.constant 1 : i32
    %scan3A_18 = scf.for %scan3A_613 = %scan3A_14 to %scan3A_16 step %scan3A_17 iter_args(%scan3A_614 = %scan3A_13) -> (i32)  : i32 {
      %broadcast_in_dim3A = arith.constant 0.000000e+00 : f32
      %broadcast_in_dim3A_615 = vector.broadcast %broadcast_in_dim3A : f32 to vector<16xf32>
      %swap3A = arith.index_cast %scan3A_613 : i32 to index
      %swap3A_616 = arith.constant 0 : index
      %swap3A_617 = tpu.vector_load %arg15[%swap3A, %swap3A_616] {strides = array<i32>} : memref<64x16xf32, #tpu.memory_space<vmem>>, vector<1x16xf32>,
      %swap3A_618 = vector.shape_cast %swap3A_617 : vector<1x16xf32> to vector<16xf32>
      %swap3A_619 = vector.shape_cast %broadcast_in_dim3A_615 : vector<16xf32> to vector<1x16xf32>
      tpu.vector_store %arg15[%swap3A, %swap3A_616], %swap3A_619 {strides = array<i32>} : memref<64x16xf32, #tpu.memory_space<vmem>>, vector<1x16xf32>,
      %scan3A_620 = arith.constant 0 : i32
      scf.yield %scan3A_620 : i32
    }
    %scan3A_19 = arith.constant 64 : i32
    %scan3A_20 = arith.constant 0 : i32
    %scan3A_21 = arith.constant 0 : i32
    %scan3A_22 = arith.constant 128 : i32
    %scan3A_23 = arith.addi %scan3A_21, %scan3A_22 : i32
    %scan3A_24 = arith.constant 1 : i32
    %scan3A_25 = scf.for %scan3A_613 = %scan3A_21 to %scan3A_23 step %scan3A_24 iter_args(%scan3A_614 = %scan3A_20) -> (i32)  : i32 {
      %broadcast_in_dim3A = arith.constant 1.000000e+00 : f32
      %broadcast_in_dim3A_615 = vector.broadcast %broadcast_in_dim3A : f32 to vector<16xf32>
      %swap3A = arith.index_cast %scan3A_613 : i32 to index
      %swap3A_616 = arith.constant 0 : index
      %swap3A_617 = tpu.vector_load %arg13[%swap3A, %swap3A_616] {strides = array<i32>} : memref<128x16xf32, #tpu.memory_space<vmem>>, vector<1x16xf32>,
      %swap3A_618 = vector.shape_cast %swap3A_617 : vector<1x16xf32> to vector<16xf32>
      %swap3A_619 = vector.shape_cast %broadcast_in_dim3A_615 : vector<16xf32> to vector<1x16xf32>
      tpu.vector_store %arg13[%swap3A, %swap3A_616], %swap3A_619 {strides = array<i32>} : memref<128x16xf32, #tpu.memory_space<vmem>>, vector<1x16xf32>,
      %scan3A_620 = arith.constant 0 : i32
      scf.yield %scan3A_620 : i32
    }
    %scan3A_26 = arith.constant 128 : i32
    %mul3A_27 = arith.constant 128 : i32
    %mul3A_28 = arith.muli %add3A_6, %mul3A_27 : i32
    %multiple_of3A = tpu.assume_multiple %mul3A_28, 128 : i32
    %add3A_29 = arith.constant 0 : i32
    %add3A_30 = arith.addi %multiple_of3A, %add3A_29 : i32
    %multiple_of3A_31 = tpu.assume_multiple %add3A_30, 8 : i32
    %add3A_32 = arith.constant 128 : i32
    %add3A_33 = arith.addi %multiple_of3A, %add3A_32 : i32
    %multiple_of3A_34 = tpu.assume_multiple %add3A_33, 8 : i32
    %add3A_35 = arith.constant 256 : i32
    %add3A_36 = arith.addi %multiple_of3A, %add3A_35 : i32
    %multiple_of3A_37 = tpu.assume_multiple %add3A_36, 8 : i32
    %add3A_38 = arith.constant 384 : i32
    %add3A_39 = arith.addi %multiple_of3A, %add3A_38 : i32
    %multiple_of3A_40 = tpu.assume_multiple %add3A_39, 8 : i32
    %add3A_41 = arith.constant 512 : i32
    %add3A_42 = arith.addi %multiple_of3A, %add3A_41 : i32
    %multiple_of3A_43 = tpu.assume_multiple %add3A_42, 8 : i32
    %add3A_44 = arith.constant 640 : i32
    %add3A_45 = arith.addi %multiple_of3A, %add3A_44 : i32
    %multiple_of3A_46 = tpu.assume_multiple %add3A_45, 8 : i32
    %add3A_47 = arith.constant 768 : i32
    %add3A_48 = arith.addi %multiple_of3A, %add3A_47 : i32
    %multiple_of3A_49 = tpu.assume_multiple %add3A_48, 8 : i32
    %add3A_50 = arith.constant 896 : i32
    %add3A_51 = arith.addi %multiple_of3A, %add3A_50 : i32
    %multiple_of3A_52 = tpu.assume_multiple %add3A_51, 8 : i32
    %add3A_53 = arith.constant 1024 : i32
    %add3A_54 = arith.addi %multiple_of3A, %add3A_53 : i32
    %multiple_of3A_55 = tpu.assume_multiple %add3A_54, 8 : i32
    %add3A_56 = arith.constant 1152 : i32
    %add3A_57 = arith.addi %multiple_of3A, %add3A_56 : i32
    %multiple_of3A_58 = tpu.assume_multiple %add3A_57, 8 : i32
    %add3A_59 = arith.constant 1280 : i32
    %add3A_60 = arith.addi %multiple_of3A, %add3A_59 : i32
    %multiple_of3A_61 = tpu.assume_multiple %add3A_60, 8 : i32
    %add3A_62 = arith.constant 1408 : i32
    %add3A_63 = arith.addi %multiple_of3A, %add3A_62 : i32
    %multiple_of3A_64 = tpu.assume_multiple %add3A_63, 8 : i32
    %add3A_65 = arith.constant 1536 : i32
    %add3A_66 = arith.addi %multiple_of3A, %add3A_65 : i32
    %multiple_of3A_67 = tpu.assume_multiple %add3A_66, 8 : i32
    %add3A_68 = arith.constant 1664 : i32
    %add3A_69 = arith.addi %multiple_of3A, %add3A_68 : i32
    %multiple_of3A_70 = tpu.assume_multiple %add3A_69, 8 : i32
    %add3A_71 = arith.constant 1792 : i32
    %add3A_72 = arith.addi %multiple_of3A, %add3A_71 : i32
    %multiple_of3A_73 = tpu.assume_multiple %add3A_72, 8 : i32
    %add3A_74 = arith.constant 1920 : i32
    %add3A_75 = arith.addi %multiple_of3A, %add3A_74 : i32
    %multiple_of3A_76 = tpu.assume_multiple %add3A_75, 8 : i32
    %add3A_77 = arith.constant 2048 : i32
    %add3A_78 = arith.addi %multiple_of3A, %add3A_77 : i32
    %multiple_of3A_79 = tpu.assume_multiple %add3A_78, 8 : i32
    %add3A_80 = arith.constant 2176 : i32
    %add3A_81 = arith.addi %multiple_of3A, %add3A_80 : i32
    %multiple_of3A_82 = tpu.assume_multiple %add3A_81, 8 : i32
    %add3A_83 = arith.constant 2304 : i32
    %add3A_84 = arith.addi %multiple_of3A, %add3A_83 : i32
    %multiple_of3A_85 = tpu.assume_multiple %add3A_84, 8 : i32
    %add3A_86 = arith.constant 2432 : i32
    %add3A_87 = arith.addi %multiple_of3A, %add3A_86 : i32
    %multiple_of3A_88 = tpu.assume_multiple %add3A_87, 8 : i32
    %add3A_89 = arith.constant 2560 : i32
    %add3A_90 = arith.addi %multiple_of3A, %add3A_89 : i32
    %multiple_of3A_91 = tpu.assume_multiple %add3A_90, 8 : i32
    %add3A_92 = arith.constant 2688 : i32
    %add3A_93 = arith.addi %multiple_of3A, %add3A_92 : i32
    %multiple_of3A_94 = tpu.assume_multiple %add3A_93, 8 : i32
    %add3A_95 = arith.constant 2816 : i32
    %add3A_96 = arith.addi %multiple_of3A, %add3A_95 : i32
    %multiple_of3A_97 = tpu.assume_multiple %add3A_96, 8 : i32
    %add3A_98 = arith.constant 2944 : i32
    %add3A_99 = arith.addi %multiple_of3A, %add3A_98 : i32
    %multiple_of3A_100 = tpu.assume_multiple %add3A_99, 8 : i32
    %add3A_101 = arith.constant 3072 : i32
    %add3A_102 = arith.addi %multiple_of3A, %add3A_101 : i32
    %multiple_of3A_103 = tpu.assume_multiple %add3A_102, 8 : i32
    %dma_start3A = arith.constant 0 : i32
    %dma_start3A_104 = arith.constant 0 : i32
    %dma_start3A_105 = tpu.memref_slice %arg11[%dma_start3A, %dma_start3A_104] : memref<25x128xi32, #tpu.memory_space<vmem>> -> memref<1x128xi32, #tpu.memory_space<vmem>>
    %dma_start3A_106 = tpu.memref_squeeze %dma_start3A_105 : memref<1x128xi32, #tpu.memory_space<vmem>> -> memref<128xi32, #tpu.memory_space<vmem>>
    %dma_start3A_107 = tpu.memref_slice %arg3[%multiple_of3A_31] : memref<100000xi32, #tpu.memory_space<hbm>> -> memref<128xi32, #tpu.memory_space<hbm>>
    %dma_start3A_108 = arith.constant 0 : i32
    %dma_start3A_109 = tpu.memref_slice %arg11[%dma_start3A, %dma_start3A_108] : memref<25x128xi32, #tpu.memory_space<vmem>> -> memref<1x128xi32, #tpu.memory_space<vmem>>
    %dma_start3A_110 = tpu.memref_squeeze %dma_start3A_109 : memref<1x128xi32, #tpu.memory_space<vmem>> -> memref<128xi32, #tpu.memory_space<vmem>>
    %dma_start3A_111 = tpu.memref_slice %arg3[%multiple_of3A_31] : memref<100000xi32, #tpu.memory_space<hbm>> -> memref<128xi32, #tpu.memory_space<hbm>>
    tpu.enqueue_dma source(%dma_start3A_111 : memref<128xi32, #tpu.memory_space<hbm>>) target(%dma_start3A_110 : memref<128xi32, #tpu.memory_space<vmem>>) target_semaphore(%arg19 : memref<!tpu.dma_semaphore, #tpu.memory_space<semaphore_mem>>)
    %dma_start3A_112 = arith.constant 1 : i32
    %dma_start3A_113 = arith.constant 0 : i32
    %dma_start3A_114 = tpu.memref_slice %arg11[%dma_start3A_112, %dma_start3A_113] : memref<25x128xi32, #tpu.memory_space<vmem>> -> memref<1x128xi32, #tpu.memory_space<vmem>>
    %dma_start3A_115 = tpu.memref_squeeze %dma_start3A_114 : memref<1x128xi32, #tpu.memory_space<vmem>> -> memref<128xi32, #tpu.memory_space<vmem>>
    %dma_start3A_116 = tpu.memref_slice %arg3[%multiple_of3A_34] : memref<100000xi32, #tpu.memory_space<hbm>> -> memref<128xi32, #tpu.memory_space<hbm>>
    %dma_start3A_117 = arith.constant 0 : i32
    %dma_start3A_118 = tpu.memref_slice %arg11[%dma_start3A_112, %dma_start3A_117] : memref<25x128xi32, #tpu.memory_space<vmem>> -> memref<1x128xi32, #tpu.memory_space<vmem>>
    %dma_start3A_119 = tpu.memref_squeeze %dma_start3A_118 : memref<1x128xi32, #tpu.memory_space<vmem>> -> memref<128xi32, #tpu.memory_space<vmem>>
    %dma_start3A_120 = tpu.memref_slice %arg3[%multiple_of3A_34] : memref<100000xi32, #tpu.memory_space<hbm>> -> memref<128xi32, #tpu.memory_space<hbm>>
    tpu.enqueue_dma source(%dma_start3A_120 : memref<128xi32, #tpu.memory_space<hbm>>) target(%dma_start3A_119 : memref<128xi32, #tpu.memory_space<vmem>>) target_semaphore(%arg19 : memref<!tpu.dma_semaphore, #tpu.memory_space<semaphore_mem>>)
    %dma_start3A_121 = arith.constant 2 : i32
    %dma_start3A_122 = arith.constant 0 : i32
    %dma_start3A_123 = tpu.memref_slice %arg11[%dma_start3A_121, %dma_start3A_122] : memref<25x128xi32, #tpu.memory_space<vmem>> -> memref<1x128xi32, #tpu.memory_space<vmem>>
    %dma_start3A_124 = tpu.memref_squeeze %dma_start3A_123 : memref<1x128xi32, #tpu.memory_space<vmem>> -> memref<128xi32, #tpu.memory_space<vmem>>
    %dma_start3A_125 = tpu.memref_slice %arg3[%multiple_of3A_37] : memref<100000xi32, #tpu.memory_space<hbm>> -> memref<128xi32, #tpu.memory_space<hbm>>
    %dma_start3A_126 = arith.constant 0 : i32
    %dma_start3A_127 = tpu.memref_slice %arg11[%dma_start3A_121, %dma_start3A_126] : memref<25x128xi32, #tpu.memory_space<vmem>> -> memref<1x128xi32, #tpu.memory_space<vmem>>
    %dma_start3A_128 = tpu.memref_squeeze %dma_start3A_127 : memref<1x128xi32, #tpu.memory_space<vmem>> -> memref<128xi32, #tpu.memory_space<vmem>>
    %dma_start3A_129 = tpu.memref_slice %arg3[%multiple_of3A_37] : memref<100000xi32, #tpu.memory_space<hbm>> -> memref<128xi32, #tpu.memory_space<hbm>>
    tpu.enqueue_dma source(%dma_start3A_129 : memref<128xi32, #tpu.memory_space<hbm>>) target(%dma_start3A_128 : memref<128xi32, #tpu.memory_space<vmem>>) target_semaphore(%arg19 : memref<!tpu.dma_semaphore, #tpu.memory_space<semaphore_mem>>)
    %dma_start3A_130 = arith.constant 3 : i32
    %dma_start3A_131 = arith.constant 0 : i32
    %dma_start3A_132 = tpu.memref_slice %arg11[%dma_start3A_130, %dma_start3A_131] : memref<25x128xi32, #tpu.memory_space<vmem>> -> memref<1x128xi32, #tpu.memory_space<vmem>>
    %dma_start3A_133 = tpu.memref_squeeze %dma_start3A_132 : memref<1x128xi32, #tpu.memory_space<vmem>> -> memref<128xi32, #tpu.memory_space<vmem>>
    %dma_start3A_134 = tpu.memref_slice %arg3[%multiple_of3A_40] : memref<100000xi32, #tpu.memory_space<hbm>> -> memref<128xi32, #tpu.memory_space<hbm>>
    %dma_start3A_135 = arith.constant 0 : i32
    %dma_start3A_136 = tpu.memref_slice %arg11[%dma_start3A_130, %dma_start3A_135] : memref<25x128xi32, #tpu.memory_space<vmem>> -> memref<1x128xi32, #tpu.memory_space<vmem>>
    %dma_start3A_137 = tpu.memref_squeeze %dma_start3A_136 : memref<1x128xi32, #tpu.memory_space<vmem>> -> memref<128xi32, #tpu.memory_space<vmem>>
    %dma_start3A_138 = tpu.memref_slice %arg3[%multiple_of3A_40] : memref<100000xi32, #tpu.memory_space<hbm>> -> memref<128xi32, #tpu.memory_space<hbm>>
    tpu.enqueue_dma source(%dma_start3A_138 : memref<128xi32, #tpu.memory_space<hbm>>) target(%dma_start3A_137 : memref<128xi32, #tpu.memory_space<vmem>>) target_semaphore(%arg19 : memref<!tpu.dma_semaphore, #tpu.memory_space<semaphore_mem>>)
    %dma_start3A_139 = arith.constant 4 : i32
    %dma_start3A_140 = arith.constant 0 : i32
    %dma_start3A_141 = tpu.memref_slice %arg11[%dma_start3A_139, %dma_start3A_140] : memref<25x128xi32, #tpu.memory_space<vmem>> -> memref<1x128xi32, #tpu.memory_space<vmem>>
    %dma_start3A_142 = tpu.memref_squeeze %dma_start3A_141 : memref<1x128xi32, #tpu.memory_space<vmem>> -> memref<128xi32, #tpu.memory_space<vmem>>
    %dma_start3A_143 = tpu.memref_slice %arg3[%multiple_of3A_43] : memref<100000xi32, #tpu.memory_space<hbm>> -> memref<128xi32, #tpu.memory_space<hbm>>
    %dma_start3A_144 = arith.constant 0 : i32
    %dma_start3A_145 = tpu.memref_slice %arg11[%dma_start3A_139, %dma_start3A_144] : memref<25x128xi32, #tpu.memory_space<vmem>> -> memref<1x128xi32, #tpu.memory_space<vmem>>
    %dma_start3A_146 = tpu.memref_squeeze %dma_start3A_145 : memref<1x128xi32, #tpu.memory_space<vmem>> -> memref<128xi32, #tpu.memory_space<vmem>>
    %dma_start3A_147 = tpu.memref_slice %arg3[%multiple_of3A_43] : memref<100000xi32, #tpu.memory_space<hbm>> -> memref<128xi32, #tpu.memory_space<hbm>>
    tpu.enqueue_dma source(%dma_start3A_147 : memref<128xi32, #tpu.memory_space<hbm>>) target(%dma_start3A_146 : memref<128xi32, #tpu.memory_space<vmem>>) target_semaphore(%arg19 : memref<!tpu.dma_semaphore, #tpu.memory_space<semaphore_mem>>)
    %dma_start3A_148 = arith.constant 5 : i32
    %dma_start3A_149 = arith.constant 0 : i32
    %dma_start3A_150 = tpu.memref_slice %arg11[%dma_start3A_148, %dma_start3A_149] : memref<25x128xi32, #tpu.memory_space<vmem>> -> memref<1x128xi32, #tpu.memory_space<vmem>>
    %dma_start3A_151 = tpu.memref_squeeze %dma_start3A_150 : memref<1x128xi32, #tpu.memory_space<vmem>> -> memref<128xi32, #tpu.memory_space<vmem>>
    %dma_start3A_152 = tpu.memref_slice %arg3[%multiple_of3A_46] : memref<100000xi32, #tpu.memory_space<hbm>> -> memref<128xi32, #tpu.memory_space<hbm>>
    %dma_start3A_153 = arith.constant 0 : i32
    %dma_start3A_154 = tpu.memref_slice %arg11[%dma_start3A_148, %dma_start3A_153] : memref<25x128xi32, #tpu.memory_space<vmem>> -> memref<1x128xi32, #tpu.memory_space<vmem>>
    %dma_start3A_155 = tpu.memref_squeeze %dma_start3A_154 : memref<1x128xi32, #tpu.memory_space<vmem>> -> memref<128xi32, #tpu.memory_space<vmem>>
    %dma_start3A_156 = tpu.memref_slice %arg3[%multiple_of3A_46] : memref<100000xi32, #tpu.memory_space<hbm>> -> memref<128xi32, #tpu.memory_space<hbm>>
    tpu.enqueue_dma source(%dma_start3A_156 : memref<128xi32, #tpu.memory_space<hbm>>) target(%dma_start3A_155 : memref<128xi32, #tpu.memory_space<vmem>>) target_semaphore(%arg19 : memref<!tpu.dma_semaphore, #tpu.memory_space<semaphore_mem>>)
    %dma_start3A_157 = arith.constant 6 : i32
    %dma_start3A_158 = arith.constant 0 : i32
    %dma_start3A_159 = tpu.memref_slice %arg11[%dma_start3A_157, %dma_start3A_158] : memref<25x128xi32, #tpu.memory_space<vmem>> -> memref<1x128xi32, #tpu.memory_space<vmem>>
    %dma_start3A_160 = tpu.memref_squeeze %dma_start3A_159 : memref<1x128xi32, #tpu.memory_space<vmem>> -> memref<128xi32, #tpu.memory_space<vmem>>
    %dma_start3A_161 = tpu.memref_slice %arg3[%multiple_of3A_49] : memref<100000xi32, #tpu.memory_space<hbm>> -> memref<128xi32, #tpu.memory_space<hbm>>
    %dma_start3A_162 = arith.constant 0 : i32
    %dma_start3A_163 = tpu.memref_slice %arg11[%dma_start3A_157, %dma_start3A_162] : memref<25x128xi32, #tpu.memory_space<vmem>> -> memref<1x128xi32, #tpu.memory_space<vmem>>
    %dma_start3A_164 = tpu.memref_squeeze %dma_start3A_163 : memref<1x128xi32, #tpu.memory_space<vmem>> -> memref<128xi32, #tpu.memory_space<vmem>>
    %dma_start3A_165 = tpu.memref_slice %arg3[%multiple_of3A_49] : memref<100000xi32, #tpu.memory_space<hbm>> -> memref<128xi32, #tpu.memory_space<hbm>>
    tpu.enqueue_dma source(%dma_start3A_165 : memref<128xi32, #tpu.memory_space<hbm>>) target(%dma_start3A_164 : memref<128xi32, #tpu.memory_space<vmem>>) target_semaphore(%arg19 : memref<!tpu.dma_semaphore, #tpu.memory_space<semaphore_mem>>)
    %dma_start3A_166 = arith.constant 7 : i32
    %dma_start3A_167 = arith.constant 0 : i32
    %dma_start3A_168 = tpu.memref_slice %arg11[%dma_start3A_166, %dma_start3A_167] : memref<25x128xi32, #tpu.memory_space<vmem>> -> memref<1x128xi32, #tpu.memory_space<vmem>>
    %dma_start3A_169 = tpu.memref_squeeze %dma_start3A_168 : memref<1x128xi32, #tpu.memory_space<vmem>> -> memref<128xi32, #tpu.memory_space<vmem>>
    %dma_start3A_170 = tpu.memref_slice %arg3[%multiple_of3A_52] : memref<100000xi32, #tpu.memory_space<hbm>> -> memref<128xi32, #tpu.memory_space<hbm>>
    %dma_start3A_171 = arith.constant 0 : i32
    %dma_start3A_172 = tpu.memref_slice %arg11[%dma_start3A_166, %dma_start3A_171] : memref<25x128xi32, #tpu.memory_space<vmem>> -> memref<1x128xi32, #tpu.memory_space<vmem>>
    %dma_start3A_173 = tpu.memref_squeeze %dma_start3A_172 : memref<1x128xi32, #tpu.memory_space<vmem>> -> memref<128xi32, #tpu.memory_space<vmem>>
    %dma_start3A_174 = tpu.memref_slice %arg3[%multiple_of3A_52] : memref<100000xi32, #tpu.memory_space<hbm>> -> memref<128xi32, #tpu.memory_space<hbm>>
    tpu.enqueue_dma source(%dma_start3A_174 : memref<128xi32, #tpu.memory_space<hbm>>) target(%dma_start3A_173 : memref<128xi32, #tpu.memory_space<vmem>>) target_semaphore(%arg19 : memref<!tpu.dma_semaphore, #tpu.memory_space<semaphore_mem>>)
    %dma_start3A_175 = arith.constant 8 : i32
    %dma_start3A_176 = arith.constant 0 : i32
    %dma_start3A_177 = tpu.memref_slice %arg11[%dma_start3A_175, %dma_start3A_176] : memref<25x128xi32, #tpu.memory_space<vmem>> -> memref<1x128xi32, #tpu.memory_space<vmem>>
    %dma_start3A_178 = tpu.memref_squeeze %dma_start3A_177 : memref<1x128xi32, #tpu.memory_space<vmem>> -> memref<128xi32, #tpu.memory_space<vmem>>
    %dma_start3A_179 = tpu.memref_slice %arg3[%multiple_of3A_55] : memref<100000xi32, #tpu.memory_space<hbm>> -> memref<128xi32, #tpu.memory_space<hbm>>
    %dma_start3A_180 = arith.constant 0 : i32
    %dma_start3A_181 = tpu.memref_slice %arg11[%dma_start3A_175, %dma_start3A_180] : memref<25x128xi32, #tpu.memory_space<vmem>> -> memref<1x128xi32, #tpu.memory_space<vmem>>
    %dma_start3A_182 = tpu.memref_squeeze %dma_start3A_181 : memref<1x128xi32, #tpu.memory_space<vmem>> -> memref<128xi32, #tpu.memory_space<vmem>>
    %dma_start3A_183 = tpu.memref_slice %arg3[%multiple_of3A_55] : memref<100000xi32, #tpu.memory_space<hbm>> -> memref<128xi32, #tpu.memory_space<hbm>>
    tpu.enqueue_dma source(%dma_start3A_183 : memref<128xi32, #tpu.memory_space<hbm>>) target(%dma_start3A_182 : memref<128xi32, #tpu.memory_space<vmem>>) target_semaphore(%arg19 : memref<!tpu.dma_semaphore, #tpu.memory_space<semaphore_mem>>)
    %dma_start3A_184 = arith.constant 9 : i32
    %dma_start3A_185 = arith.constant 0 : i32
    %dma_start3A_186 = tpu.memref_slice %arg11[%dma_start3A_184, %dma_start3A_185] : memref<25x128xi32, #tpu.memory_space<vmem>> -> memref<1x128xi32, #tpu.memory_space<vmem>>
    %dma_start3A_187 = tpu.memref_squeeze %dma_start3A_186 : memref<1x128xi32, #tpu.memory_space<vmem>> -> memref<128xi32, #tpu.memory_space<vmem>>
    %dma_start3A_188 = tpu.memref_slice %arg3[%multiple_of3A_58] : memref<100000xi32, #tpu.memory_space<hbm>> -> memref<128xi32, #tpu.memory_space<hbm>>
    %dma_start3A_189 = arith.constant 0 : i32
    %dma_start3A_190 = tpu.memref_slice %arg11[%dma_start3A_184, %dma_start3A_189] : memref<25x128xi32, #tpu.memory_space<vmem>> -> memref<1x128xi32, #tpu.memory_space<vmem>>
    %dma_start3A_191 = tpu.memref_squeeze %dma_start3A_190 : memref<1x128xi32, #tpu.memory_space<vmem>> -> memref<128xi32, #tpu.memory_space<vmem>>
    %dma_start3A_192 = tpu.memref_slice %arg3[%multiple_of3A_58] : memref<100000xi32, #tpu.memory_space<hbm>> -> memref<128xi32, #tpu.memory_space<hbm>>
    tpu.enqueue_dma source(%dma_start3A_192 : memref<128xi32, #tpu.memory_space<hbm>>) target(%dma_start3A_191 : memref<128xi32, #tpu.memory_space<vmem>>) target_semaphore(%arg19 : memref<!tpu.dma_semaphore, #tpu.memory_space<semaphore_mem>>)
    %dma_start3A_193 = arith.constant 10 : i32
    %dma_start3A_194 = arith.constant 0 : i32
    %dma_start3A_195 = tpu.memref_slice %arg11[%dma_start3A_193, %dma_start3A_194] : memref<25x128xi32, #tpu.memory_space<vmem>> -> memref<1x128xi32, #tpu.memory_space<vmem>>
    %dma_start3A_196 = tpu.memref_squeeze %dma_start3A_195 : memref<1x128xi32, #tpu.memory_space<vmem>> -> memref<128xi32, #tpu.memory_space<vmem>>
    %dma_start3A_197 = tpu.memref_slice %arg3[%multiple_of3A_61] : memref<100000xi32, #tpu.memory_space<hbm>> -> memref<128xi32, #tpu.memory_space<hbm>>
    %dma_start3A_198 = arith.constant 0 : i32
    %dma_start3A_199 = tpu.memref_slice %arg11[%dma_start3A_193, %dma_start3A_198] : memref<25x128xi32, #tpu.memory_space<vmem>> -> memref<1x128xi32, #tpu.memory_space<vmem>>
    %dma_start3A_200 = tpu.memref_squeeze %dma_start3A_199 : memref<1x128xi32, #tpu.memory_space<vmem>> -> memref<128xi32, #tpu.memory_space<vmem>>
    %dma_start3A_201 = tpu.memref_slice %arg3[%multiple_of3A_61] : memref<100000xi32, #tpu.memory_space<hbm>> -> memref<128xi32, #tpu.memory_space<hbm>>
    tpu.enqueue_dma source(%dma_start3A_201 : memref<128xi32, #tpu.memory_space<hbm>>) target(%dma_start3A_200 : memref<128xi32, #tpu.memory_space<vmem>>) target_semaphore(%arg19 : memref<!tpu.dma_semaphore, #tpu.memory_space<semaphore_mem>>)
    %dma_start3A_202 = arith.constant 11 : i32
    %dma_start3A_203 = arith.constant 0 : i32
    %dma_start3A_204 = tpu.memref_slice %arg11[%dma_start3A_202, %dma_start3A_203] : memref<25x128xi32, #tpu.memory_space<vmem>> -> memref<1x128xi32, #tpu.memory_space<vmem>>
    %dma_start3A_205 = tpu.memref_squeeze %dma_start3A_204 : memref<1x128xi32, #tpu.memory_space<vmem>> -> memref<128xi32, #tpu.memory_space<vmem>>
    %dma_start3A_206 = tpu.memref_slice %arg3[%multiple_of3A_64] : memref<100000xi32, #tpu.memory_space<hbm>> -> memref<128xi32, #tpu.memory_space<hbm>>
    %dma_start3A_207 = arith.constant 0 : i32
    %dma_start3A_208 = tpu.memref_slice %arg11[%dma_start3A_202, %dma_start3A_207] : memref<25x128xi32, #tpu.memory_space<vmem>> -> memref<1x128xi32, #tpu.memory_space<vmem>>
    %dma_start3A_209 = tpu.memref_squeeze %dma_start3A_208 : memref<1x128xi32, #tpu.memory_space<vmem>> -> memref<128xi32, #tpu.memory_space<vmem>>
    %dma_start3A_210 = tpu.memref_slice %arg3[%multiple_of3A_64] : memref<100000xi32, #tpu.memory_space<hbm>> -> memref<128xi32, #tpu.memory_space<hbm>>
    tpu.enqueue_dma source(%dma_start3A_210 : memref<128xi32, #tpu.memory_space<hbm>>) target(%dma_start3A_209 : memref<128xi32, #tpu.memory_space<vmem>>) target_semaphore(%arg19 : memref<!tpu.dma_semaphore, #tpu.memory_space<semaphore_mem>>)
    %dma_start3A_211 = arith.constant 12 : i32
    %dma_start3A_212 = arith.constant 0 : i32
    %dma_start3A_213 = tpu.memref_slice %arg11[%dma_start3A_211, %dma_start3A_212] : memref<25x128xi32, #tpu.memory_space<vmem>> -> memref<1x128xi32, #tpu.memory_space<vmem>>
    %dma_start3A_214 = tpu.memref_squeeze %dma_start3A_213 : memref<1x128xi32, #tpu.memory_space<vmem>> -> memref<128xi32, #tpu.memory_space<vmem>>
    %dma_start3A_215 = tpu.memref_slice %arg3[%multiple_of3A_67] : memref<100000xi32, #tpu.memory_space<hbm>> -> memref<128xi32, #tpu.memory_space<hbm>>
    %dma_start3A_216 = arith.constant 0 : i32
    %dma_start3A_217 = tpu.memref_slice %arg11[%dma_start3A_211, %dma_start3A_216] : memref<25x128xi32, #tpu.memory_space<vmem>> -> memref<1x128xi32, #tpu.memory_space<vmem>>
    %dma_start3A_218 = tpu.memref_squeeze %dma_start3A_217 : memref<1x128xi32, #tpu.memory_space<vmem>> -> memref<128xi32, #tpu.memory_space<vmem>>
    %dma_start3A_219 = tpu.memref_slice %arg3[%multiple_of3A_67] : memref<100000xi32, #tpu.memory_space<hbm>> -> memref<128xi32, #tpu.memory_space<hbm>>
    tpu.enqueue_dma source(%dma_start3A_219 : memref<128xi32, #tpu.memory_space<hbm>>) target(%dma_start3A_218 : memref<128xi32, #tpu.memory_space<vmem>>) target_semaphore(%arg19 : memref<!tpu.dma_semaphore, #tpu.memory_space<semaphore_mem>>)
    %dma_start3A_220 = arith.constant 13 : i32
    %dma_start3A_221 = arith.constant 0 : i32
    %dma_start3A_222 = tpu.memref_slice %arg11[%dma_start3A_220, %dma_start3A_221] : memref<25x128xi32, #tpu.memory_space<vmem>> -> memref<1x128xi32, #tpu.memory_space<vmem>>
    %dma_start3A_223 = tpu.memref_squeeze %dma_start3A_222 : memref<1x128xi32, #tpu.memory_space<vmem>> -> memref<128xi32, #tpu.memory_space<vmem>>
    %dma_start3A_224 = tpu.memref_slice %arg3[%multiple_of3A_70] : memref<100000xi32, #tpu.memory_space<hbm>> -> memref<128xi32, #tpu.memory_space<hbm>>
    %dma_start3A_225 = arith.constant 0 : i32
    %dma_start3A_226 = tpu.memref_slice %arg11[%dma_start3A_220, %dma_start3A_225] : memref<25x128xi32, #tpu.memory_space<vmem>> -> memref<1x128xi32, #tpu.memory_space<vmem>>
    %dma_start3A_227 = tpu.memref_squeeze %dma_start3A_226 : memref<1x128xi32, #tpu.memory_space<vmem>> -> memref<128xi32, #tpu.memory_space<vmem>>
    %dma_start3A_228 = tpu.memref_slice %arg3[%multiple_of3A_70] : memref<100000xi32, #tpu.memory_space<hbm>> -> memref<128xi32, #tpu.memory_space<hbm>>
    tpu.enqueue_dma source(%dma_start3A_228 : memref<128xi32, #tpu.memory_space<hbm>>) target(%dma_start3A_227 : memref<128xi32, #tpu.memory_space<vmem>>) target_semaphore(%arg19 : memref<!tpu.dma_semaphore, #tpu.memory_space<semaphore_mem>>)
    %dma_start3A_229 = arith.constant 14 : i32
    %dma_start3A_230 = arith.constant 0 : i32
    %dma_start3A_231 = tpu.memref_slice %arg11[%dma_start3A_229, %dma_start3A_230] : memref<25x128xi32, #tpu.memory_space<vmem>> -> memref<1x128xi32, #tpu.memory_space<vmem>>
    %dma_start3A_232 = tpu.memref_squeeze %dma_start3A_231 : memref<1x128xi32, #tpu.memory_space<vmem>> -> memref<128xi32, #tpu.memory_space<vmem>>
    %dma_start3A_233 = tpu.memref_slice %arg3[%multiple_of3A_73] : memref<100000xi32, #tpu.memory_space<hbm>> -> memref<128xi32, #tpu.memory_space<hbm>>
    %dma_start3A_234 = arith.constant 0 : i32
    %dma_start3A_235 = tpu.memref_slice %arg11[%dma_start3A_229, %dma_start3A_234] : memref<25x128xi32, #tpu.memory_space<vmem>> -> memref<1x128xi32, #tpu.memory_space<vmem>>
    %dma_start3A_236 = tpu.memref_squeeze %dma_start3A_235 : memref<1x128xi32, #tpu.memory_space<vmem>> -> memref<128xi32, #tpu.memory_space<vmem>>
    %dma_start3A_237 = tpu.memref_slice %arg3[%multiple_of3A_73] : memref<100000xi32, #tpu.memory_space<hbm>> -> memref<128xi32, #tpu.memory_space<hbm>>
    tpu.enqueue_dma source(%dma_start3A_237 : memref<128xi32, #tpu.memory_space<hbm>>) target(%dma_start3A_236 : memref<128xi32, #tpu.memory_space<vmem>>) target_semaphore(%arg19 : memref<!tpu.dma_semaphore, #tpu.memory_space<semaphore_mem>>)
    %dma_start3A_238 = arith.constant 15 : i32
    %dma_start3A_239 = arith.constant 0 : i32
    %dma_start3A_240 = tpu.memref_slice %arg11[%dma_start3A_238, %dma_start3A_239] : memref<25x128xi32, #tpu.memory_space<vmem>> -> memref<1x128xi32, #tpu.memory_space<vmem>>
    %dma_start3A_241 = tpu.memref_squeeze %dma_start3A_240 : memref<1x128xi32, #tpu.memory_space<vmem>> -> memref<128xi32, #tpu.memory_space<vmem>>
    %dma_start3A_242 = tpu.memref_slice %arg3[%multiple_of3A_76] : memref<100000xi32, #tpu.memory_space<hbm>> -> memref<128xi32, #tpu.memory_space<hbm>>
    %dma_start3A_243 = arith.constant 0 : i32
    %dma_start3A_244 = tpu.memref_slice %arg11[%dma_start3A_238, %dma_start3A_243] : memref<25x128xi32, #tpu.memory_space<vmem>> -> memref<1x128xi32, #tpu.memory_space<vmem>>
    %dma_start3A_245 = tpu.memref_squeeze %dma_start3A_244 : memref<1x128xi32, #tpu.memory_space<vmem>> -> memref<128xi32, #tpu.memory_space<vmem>>
    %dma_start3A_246 = tpu.memref_slice %arg3[%multiple_of3A_76] : memref<100000xi32, #tpu.memory_space<hbm>> -> memref<128xi32, #tpu.memory_space<hbm>>
    tpu.enqueue_dma source(%dma_start3A_246 : memref<128xi32, #tpu.memory_space<hbm>>) target(%dma_start3A_245 : memref<128xi32, #tpu.memory_space<vmem>>) target_semaphore(%arg19 : memref<!tpu.dma_semaphore, #tpu.memory_space<semaphore_mem>>)
    %dma_start3A_247 = arith.constant 16 : i32
    %dma_start3A_248 = arith.constant 0 : i32
    %dma_start3A_249 = tpu.memref_slice %arg11[%dma_start3A_247, %dma_start3A_248] : memref<25x128xi32, #tpu.memory_space<vmem>> -> memref<1x128xi32, #tpu.memory_space<vmem>>
    %dma_start3A_250 = tpu.memref_squeeze %dma_start3A_249 : memref<1x128xi32, #tpu.memory_space<vmem>> -> memref<128xi32, #tpu.memory_space<vmem>>
    %dma_start3A_251 = tpu.memref_slice %arg3[%multiple_of3A_79] : memref<100000xi32, #tpu.memory_space<hbm>> -> memref<128xi32, #tpu.memory_space<hbm>>
    %dma_start3A_252 = arith.constant 0 : i32
    %dma_start3A_253 = tpu.memref_slice %arg11[%dma_start3A_247, %dma_start3A_252] : memref<25x128xi32, #tpu.memory_space<vmem>> -> memref<1x128xi32, #tpu.memory_space<vmem>>
    %dma_start3A_254 = tpu.memref_squeeze %dma_start3A_253 : memref<1x128xi32, #tpu.memory_space<vmem>> -> memref<128xi32, #tpu.memory_space<vmem>>
    %dma_start3A_255 = tpu.memref_slice %arg3[%multiple_of3A_79] : memref<100000xi32, #tpu.memory_space<hbm>> -> memref<128xi32, #tpu.memory_space<hbm>>
    tpu.enqueue_dma source(%dma_start3A_255 : memref<128xi32, #tpu.memory_space<hbm>>) target(%dma_start3A_254 : memref<128xi32, #tpu.memory_space<vmem>>) target_semaphore(%arg19 : memref<!tpu.dma_semaphore, #tpu.memory_space<semaphore_mem>>)
    %dma_start3A_256 = arith.constant 17 : i32
    %dma_start3A_257 = arith.constant 0 : i32
    %dma_start3A_258 = tpu.memref_slice %arg11[%dma_start3A_256, %dma_start3A_257] : memref<25x128xi32, #tpu.memory_space<vmem>> -> memref<1x128xi32, #tpu.memory_space<vmem>>
    %dma_start3A_259 = tpu.memref_squeeze %dma_start3A_258 : memref<1x128xi32, #tpu.memory_space<vmem>> -> memref<128xi32, #tpu.memory_space<vmem>>
    %dma_start3A_260 = tpu.memref_slice %arg3[%multiple_of3A_82] : memref<100000xi32, #tpu.memory_space<hbm>> -> memref<128xi32, #tpu.memory_space<hbm>>
    %dma_start3A_261 = arith.constant 0 : i32
    %dma_start3A_262 = tpu.memref_slice %arg11[%dma_start3A_256, %dma_start3A_261] : memref<25x128xi32, #tpu.memory_space<vmem>> -> memref<1x128xi32, #tpu.memory_space<vmem>>
    %dma_start3A_263 = tpu.memref_squeeze %dma_start3A_262 : memref<1x128xi32, #tpu.memory_space<vmem>> -> memref<128xi32, #tpu.memory_space<vmem>>
    %dma_start3A_264 = tpu.memref_slice %arg3[%multiple_of3A_82] : memref<100000xi32, #tpu.memory_space<hbm>> -> memref<128xi32, #tpu.memory_space<hbm>>
    tpu.enqueue_dma source(%dma_start3A_264 : memref<128xi32, #tpu.memory_space<hbm>>) target(%dma_start3A_263 : memref<128xi32, #tpu.memory_space<vmem>>) target_semaphore(%arg19 : memref<!tpu.dma_semaphore, #tpu.memory_space<semaphore_mem>>)
    %dma_start3A_265 = arith.constant 18 : i32
    %dma_start3A_266 = arith.constant 0 : i32
    %dma_start3A_267 = tpu.memref_slice %arg11[%dma_start3A_265, %dma_start3A_266] : memref<25x128xi32, #tpu.memory_space<vmem>> -> memref<1x128xi32, #tpu.memory_space<vmem>>
    %dma_start3A_268 = tpu.memref_squeeze %dma_start3A_267 : memref<1x128xi32, #tpu.memory_space<vmem>> -> memref<128xi32, #tpu.memory_space<vmem>>
    %dma_start3A_269 = tpu.memref_slice %arg3[%multiple_of3A_85] : memref<100000xi32, #tpu.memory_space<hbm>> -> memref<128xi32, #tpu.memory_space<hbm>>
    %dma_start3A_270 = arith.constant 0 : i32
    %dma_start3A_271 = tpu.memref_slice %arg11[%dma_start3A_265, %dma_start3A_270] : memref<25x128xi32, #tpu.memory_space<vmem>> -> memref<1x128xi32, #tpu.memory_space<vmem>>
    %dma_start3A_272 = tpu.memref_squeeze %dma_start3A_271 : memref<1x128xi32, #tpu.memory_space<vmem>> -> memref<128xi32, #tpu.memory_space<vmem>>
    %dma_start3A_273 = tpu.memref_slice %arg3[%multiple_of3A_85] : memref<100000xi32, #tpu.memory_space<hbm>> -> memref<128xi32, #tpu.memory_space<hbm>>
    tpu.enqueue_dma source(%dma_start3A_273 : memref<128xi32, #tpu.memory_space<hbm>>) target(%dma_start3A_272 : memref<128xi32, #tpu.memory_space<vmem>>) target_semaphore(%arg19 : memref<!tpu.dma_semaphore, #tpu.memory_space<semaphore_mem>>)
    %dma_start3A_274 = arith.constant 19 : i32
    %dma_start3A_275 = arith.constant 0 : i32
    %dma_start3A_276 = tpu.memref_slice %arg11[%dma_start3A_274, %dma_start3A_275] : memref<25x128xi32, #tpu.memory_space<vmem>> -> memref<1x128xi32, #tpu.memory_space<vmem>>
    %dma_start3A_277 = tpu.memref_squeeze %dma_start3A_276 : memref<1x128xi32, #tpu.memory_space<vmem>> -> memref<128xi32, #tpu.memory_space<vmem>>
    %dma_start3A_278 = tpu.memref_slice %arg3[%multiple_of3A_88] : memref<100000xi32, #tpu.memory_space<hbm>> -> memref<128xi32, #tpu.memory_space<hbm>>
    %dma_start3A_279 = arith.constant 0 : i32
    %dma_start3A_280 = tpu.memref_slice %arg11[%dma_start3A_274, %dma_start3A_279] : memref<25x128xi32, #tpu.memory_space<vmem>> -> memref<1x128xi32, #tpu.memory_space<vmem>>
    %dma_start3A_281 = tpu.memref_squeeze %dma_start3A_280 : memref<1x128xi32, #tpu.memory_space<vmem>> -> memref<128xi32, #tpu.memory_space<vmem>>
    %dma_start3A_282 = tpu.memref_slice %arg3[%multiple_of3A_88] : memref<100000xi32, #tpu.memory_space<hbm>> -> memref<128xi32, #tpu.memory_space<hbm>>
    tpu.enqueue_dma source(%dma_start3A_282 : memref<128xi32, #tpu.memory_space<hbm>>) target(%dma_start3A_281 : memref<128xi32, #tpu.memory_space<vmem>>) target_semaphore(%arg19 : memref<!tpu.dma_semaphore, #tpu.memory_space<semaphore_mem>>)
    %dma_start3A_283 = arith.constant 20 : i32
    %dma_start3A_284 = arith.constant 0 : i32
    %dma_start3A_285 = tpu.memref_slice %arg11[%dma_start3A_283, %dma_start3A_284] : memref<25x128xi32, #tpu.memory_space<vmem>> -> memref<1x128xi32, #tpu.memory_space<vmem>>
    %dma_start3A_286 = tpu.memref_squeeze %dma_start3A_285 : memref<1x128xi32, #tpu.memory_space<vmem>> -> memref<128xi32, #tpu.memory_space<vmem>>
    %dma_start3A_287 = tpu.memref_slice %arg3[%multiple_of3A_91] : memref<100000xi32, #tpu.memory_space<hbm>> -> memref<128xi32, #tpu.memory_space<hbm>>
    %dma_start3A_288 = arith.constant 0 : i32
    %dma_start3A_289 = tpu.memref_slice %arg11[%dma_start3A_283, %dma_start3A_288] : memref<25x128xi32, #tpu.memory_space<vmem>> -> memref<1x128xi32, #tpu.memory_space<vmem>>
    %dma_start3A_290 = tpu.memref_squeeze %dma_start3A_289 : memref<1x128xi32, #tpu.memory_space<vmem>> -> memref<128xi32, #tpu.memory_space<vmem>>
    %dma_start3A_291 = tpu.memref_slice %arg3[%multiple_of3A_91] : memref<100000xi32, #tpu.memory_space<hbm>> -> memref<128xi32, #tpu.memory_space<hbm>>
    tpu.enqueue_dma source(%dma_start3A_291 : memref<128xi32, #tpu.memory_space<hbm>>) target(%dma_start3A_290 : memref<128xi32, #tpu.memory_space<vmem>>) target_semaphore(%arg19 : memref<!tpu.dma_semaphore, #tpu.memory_space<semaphore_mem>>)
    %dma_start3A_292 = arith.constant 21 : i32
    %dma_start3A_293 = arith.constant 0 : i32
    %dma_start3A_294 = tpu.memref_slice %arg11[%dma_start3A_292, %dma_start3A_293] : memref<25x128xi32, #tpu.memory_space<vmem>> -> memref<1x128xi32, #tpu.memory_space<vmem>>
    %dma_start3A_295 = tpu.memref_squeeze %dma_start3A_294 : memref<1x128xi32, #tpu.memory_space<vmem>> -> memref<128xi32, #tpu.memory_space<vmem>>
    %dma_start3A_296 = tpu.memref_slice %arg3[%multiple_of3A_94] : memref<100000xi32, #tpu.memory_space<hbm>> -> memref<128xi32, #tpu.memory_space<hbm>>
    %dma_start3A_297 = arith.constant 0 : i32
    %dma_start3A_298 = tpu.memref_slice %arg11[%dma_start3A_292, %dma_start3A_297] : memref<25x128xi32, #tpu.memory_space<vmem>> -> memref<1x128xi32, #tpu.memory_space<vmem>>
    %dma_start3A_299 = tpu.memref_squeeze %dma_start3A_298 : memref<1x128xi32, #tpu.memory_space<vmem>> -> memref<128xi32, #tpu.memory_space<vmem>>
    %dma_start3A_300 = tpu.memref_slice %arg3[%multiple_of3A_94] : memref<100000xi32, #tpu.memory_space<hbm>> -> memref<128xi32, #tpu.memory_space<hbm>>
    tpu.enqueue_dma source(%dma_start3A_300 : memref<128xi32, #tpu.memory_space<hbm>>) target(%dma_start3A_299 : memref<128xi32, #tpu.memory_space<vmem>>) target_semaphore(%arg19 : memref<!tpu.dma_semaphore, #tpu.memory_space<semaphore_mem>>)
    %dma_start3A_301 = arith.constant 22 : i32
    %dma_start3A_302 = arith.constant 0 : i32
    %dma_start3A_303 = tpu.memref_slice %arg11[%dma_start3A_301, %dma_start3A_302] : memref<25x128xi32, #tpu.memory_space<vmem>> -> memref<1x128xi32, #tpu.memory_space<vmem>>
    %dma_start3A_304 = tpu.memref_squeeze %dma_start3A_303 : memref<1x128xi32, #tpu.memory_space<vmem>> -> memref<128xi32, #tpu.memory_space<vmem>>
    %dma_start3A_305 = tpu.memref_slice %arg3[%multiple_of3A_97] : memref<100000xi32, #tpu.memory_space<hbm>> -> memref<128xi32, #tpu.memory_space<hbm>>
    %dma_start3A_306 = arith.constant 0 : i32
    %dma_start3A_307 = tpu.memref_slice %arg11[%dma_start3A_301, %dma_start3A_306] : memref<25x128xi32, #tpu.memory_space<vmem>> -> memref<1x128xi32, #tpu.memory_space<vmem>>
    %dma_start3A_308 = tpu.memref_squeeze %dma_start3A_307 : memref<1x128xi32, #tpu.memory_space<vmem>> -> memref<128xi32, #tpu.memory_space<vmem>>
    %dma_start3A_309 = tpu.memref_slice %arg3[%multiple_of3A_97] : memref<100000xi32, #tpu.memory_space<hbm>> -> memref<128xi32, #tpu.memory_space<hbm>>
    tpu.enqueue_dma source(%dma_start3A_309 : memref<128xi32, #tpu.memory_space<hbm>>) target(%dma_start3A_308 : memref<128xi32, #tpu.memory_space<vmem>>) target_semaphore(%arg19 : memref<!tpu.dma_semaphore, #tpu.memory_space<semaphore_mem>>)
    %dma_start3A_310 = arith.constant 23 : i32
    %dma_start3A_311 = arith.constant 0 : i32
    %dma_start3A_312 = tpu.memref_slice %arg11[%dma_start3A_310, %dma_start3A_311] : memref<25x128xi32, #tpu.memory_space<vmem>> -> memref<1x128xi32, #tpu.memory_space<vmem>>
    %dma_start3A_313 = tpu.memref_squeeze %dma_start3A_312 : memref<1x128xi32, #tpu.memory_space<vmem>> -> memref<128xi32, #tpu.memory_space<vmem>>
    %dma_start3A_314 = tpu.memref_slice %arg3[%multiple_of3A_100] : memref<100000xi32, #tpu.memory_space<hbm>> -> memref<128xi32, #tpu.memory_space<hbm>>
    %dma_start3A_315 = arith.constant 0 : i32
    %dma_start3A_316 = tpu.memref_slice %arg11[%dma_start3A_310, %dma_start3A_315] : memref<25x128xi32, #tpu.memory_space<vmem>> -> memref<1x128xi32, #tpu.memory_space<vmem>>
    %dma_start3A_317 = tpu.memref_squeeze %dma_start3A_316 : memref<1x128xi32, #tpu.memory_space<vmem>> -> memref<128xi32, #tpu.memory_space<vmem>>
    %dma_start3A_318 = tpu.memref_slice %arg3[%multiple_of3A_100] : memref<100000xi32, #tpu.memory_space<hbm>> -> memref<128xi32, #tpu.memory_space<hbm>>
    tpu.enqueue_dma source(%dma_start3A_318 : memref<128xi32, #tpu.memory_space<hbm>>) target(%dma_start3A_317 : memref<128xi32, #tpu.memory_space<vmem>>) target_semaphore(%arg19 : memref<!tpu.dma_semaphore, #tpu.memory_space<semaphore_mem>>)
    %dma_start3A_319 = arith.constant 24 : i32
    %dma_start3A_320 = arith.constant 0 : i32
    %dma_start3A_321 = tpu.memref_slice %arg11[%dma_start3A_319, %dma_start3A_320] : memref<25x128xi32, #tpu.memory_space<vmem>> -> memref<1x128xi32, #tpu.memory_space<vmem>>
    %dma_start3A_322 = tpu.memref_squeeze %dma_start3A_321 : memref<1x128xi32, #tpu.memory_space<vmem>> -> memref<128xi32, #tpu.memory_space<vmem>>
    %dma_start3A_323 = tpu.memref_slice %arg3[%multiple_of3A_103] : memref<100000xi32, #tpu.memory_space<hbm>> -> memref<128xi32, #tpu.memory_space<hbm>>
    %dma_start3A_324 = arith.constant 0 : i32
    %dma_start3A_325 = tpu.memref_slice %arg11[%dma_start3A_319, %dma_start3A_324] : memref<25x128xi32, #tpu.memory_space<vmem>> -> memref<1x128xi32, #tpu.memory_space<vmem>>
    %dma_start3A_326 = tpu.memref_squeeze %dma_start3A_325 : memref<1x128xi32, #tpu.memory_space<vmem>> -> memref<128xi32, #tpu.memory_space<vmem>>
    %dma_start3A_327 = tpu.memref_slice %arg3[%multiple_of3A_103] : memref<100000xi32, #tpu.memory_space<hbm>> -> memref<128xi32, #tpu.memory_space<hbm>>
    tpu.enqueue_dma source(%dma_start3A_327 : memref<128xi32, #tpu.memory_space<hbm>>) target(%dma_start3A_326 : memref<128xi32, #tpu.memory_space<vmem>>) target_semaphore(%arg19 : memref<!tpu.dma_semaphore, #tpu.memory_space<semaphore_mem>>)
    %add3A_328 = arith.constant 0 : i32
    %add3A_329 = arith.addi %multiple_of3A, %add3A_328 : i32
    %multiple_of3A_330 = tpu.assume_multiple %add3A_329, 8 : i32
    %dma_start3A_331 = arith.constant 0 : i32
    %dma_start3A_332 = tpu.memref_slice %arg2[%multiple_of3A_330, %dma_start3A_331] : memref<100000x128xf32, #tpu.memory_space<hbm>> -> memref<128x128xf32, #tpu.memory_space<hbm>>
    %dma_start3A_333 = arith.constant 0 : i32
    %dma_start3A_334 = tpu.memref_slice %arg2[%multiple_of3A_330, %dma_start3A_333] : memref<100000x128xf32, #tpu.memory_space<hbm>> -> memref<128x128xf32, #tpu.memory_space<hbm>>
    tpu.enqueue_dma source(%dma_start3A_334 : memref<128x128xf32, #tpu.memory_space<hbm>>) target(%arg6 : memref<128x128xf32, #tpu.memory_space<vmem>>) target_semaphore(%arg20 : memref<!tpu.dma_semaphore, #tpu.memory_space<semaphore_mem>>)
    %add3A_335 = arith.constant 128 : i32
    %add3A_336 = arith.addi %multiple_of3A, %add3A_335 : i32
    %multiple_of3A_337 = tpu.assume_multiple %add3A_336, 8 : i32
    %dma_start3A_338 = arith.constant 0 : i32
    %dma_start3A_339 = tpu.memref_slice %arg2[%multiple_of3A_337, %dma_start3A_338] : memref<100000x128xf32, #tpu.memory_space<hbm>> -> memref<128x128xf32, #tpu.memory_space<hbm>>
    %dma_start3A_340 = arith.constant 0 : i32
    %dma_start3A_341 = tpu.memref_slice %arg2[%multiple_of3A_337, %dma_start3A_340] : memref<100000x128xf32, #tpu.memory_space<hbm>> -> memref<128x128xf32, #tpu.memory_space<hbm>>
    tpu.enqueue_dma source(%dma_start3A_341 : memref<128x128xf32, #tpu.memory_space<hbm>>) target(%arg7 : memref<128x128xf32, #tpu.memory_space<vmem>>) target_semaphore(%arg21 : memref<!tpu.dma_semaphore, #tpu.memory_space<semaphore_mem>>)
    %add3A_342 = arith.constant 256 : i32
    %add3A_343 = arith.addi %multiple_of3A, %add3A_342 : i32
    %multiple_of3A_344 = tpu.assume_multiple %add3A_343, 8 : i32
    %dma_start3A_345 = arith.constant 0 : i32
    %dma_start3A_346 = tpu.memref_slice %arg2[%multiple_of3A_344, %dma_start3A_345] : memref<100000x128xf32, #tpu.memory_space<hbm>> -> memref<128x128xf32, #tpu.memory_space<hbm>>
    %dma_start3A_347 = arith.constant 0 : i32
    %dma_start3A_348 = tpu.memref_slice %arg2[%multiple_of3A_344, %dma_start3A_347] : memref<100000x128xf32, #tpu.memory_space<hbm>> -> memref<128x128xf32, #tpu.memory_space<hbm>>
    tpu.enqueue_dma source(%dma_start3A_348 : memref<128x128xf32, #tpu.memory_space<hbm>>) target(%arg8 : memref<128x128xf32, #tpu.memory_space<vmem>>) target_semaphore(%arg22 : memref<!tpu.dma_semaphore, #tpu.memory_space<semaphore_mem>>)
    %mul3A_349 = arith.constant 64 : i32
    %mul3A_350 = arith.muli %arg1, %mul3A_349 : i32
    "tpu.region"() ({
      %run_scoped3A = tpu.sem_alloc : memref<!tpu.dma_semaphore, #tpu.memory_space<semaphore_mem>>
      %dma_start3A_613 = arith.constant 0 : i32
      %dma_start3A_614 = tpu.memref_slice %arg17[%mul3A_350, %dma_start3A_613] : memref<1024x128xf32, #tpu.memory_space<vmem_shared>> -> memref<64x128xf32, #tpu.memory_space<vmem_shared>>
      %dma_start3A_615 = arith.constant 0 : i32
      %dma_start3A_616 = tpu.memref_slice %arg17[%mul3A_350, %dma_start3A_615] : memref<1024x128xf32, #tpu.memory_space<vmem_shared>> -> memref<64x128xf32, #tpu.memory_space<vmem_shared>>
      tpu.enqueue_dma source(%arg14 : memref<64x128xf32, #tpu.memory_space<vmem>>) target(%dma_start3A_616 : memref<64x128xf32, #tpu.memory_space<vmem_shared>>) target_semaphore(%run_scoped3A : memref<!tpu.dma_semaphore, #tpu.memory_space<semaphore_mem>>)
      %dma_wait3A_617 = arith.constant 0 : i32
      %dma_wait3A_618 = tpu.memref_slice %arg17[%mul3A_350, %dma_wait3A_617] : memref<1024x128xf32, #tpu.memory_space<vmem_shared>> -> memref<64x128xf32, #tpu.memory_space<vmem_shared>>
      %dma_wait3A_619 = arith.constant 0 : i32
      %dma_wait3A_620 = tpu.memref_slice %arg17[%mul3A_350, %dma_wait3A_619] : memref<1024x128xf32, #tpu.memory_space<vmem_shared>> -> memref<64x128xf32, #tpu.memory_space<vmem_shared>>
      tpu.wait_dma2 semaphore(%run_scoped3A : memref<!tpu.dma_semaphore, #tpu.memory_space<semaphore_mem>>) src(%arg14 : memref<64x128xf32, #tpu.memory_space<vmem>>) dst(%dma_wait3A_620 : memref<64x128xf32, #tpu.memory_space<vmem_shared>>)
      tpu.yield
    }) : () -> ()
    %mul3A_351 = arith.constant 64 : i32
    %mul3A_352 = arith.muli %arg1, %mul3A_351 : i32
    "tpu.region"() ({
      %run_scoped3A = tpu.sem_alloc : memref<!tpu.dma_semaphore, #tpu.memory_space<semaphore_mem>>
      %dma_start3A_613 = arith.constant 0 : i32
      %dma_start3A_614 = tpu.memref_slice %arg18[%mul3A_352, %dma_start3A_613] : memref<1024x16xf32, #tpu.memory_space<vmem_shared>> -> memref<64x16xf32, #tpu.memory_space<vmem_shared>>
      %dma_start3A_615 = arith.constant 0 : i32
      %dma_start3A_616 = tpu.memref_slice %arg18[%mul3A_352, %dma_start3A_615] : memref<1024x16xf32, #tpu.memory_space<vmem_shared>> -> memref<64x16xf32, #tpu.memory_space<vmem_shared>>
      tpu.enqueue_dma source(%arg15 : memref<64x16xf32, #tpu.memory_space<vmem>>) target(%dma_start3A_616 : memref<64x16xf32, #tpu.memory_space<vmem_shared>>) target_semaphore(%run_scoped3A : memref<!tpu.dma_semaphore, #tpu.memory_space<semaphore_mem>>)
      %dma_wait3A_617 = arith.constant 0 : i32
      %dma_wait3A_618 = tpu.memref_slice %arg18[%mul3A_352, %dma_wait3A_617] : memref<1024x16xf32, #tpu.memory_space<vmem_shared>> -> memref<64x16xf32, #tpu.memory_space<vmem_shared>>
      %dma_wait3A_619 = arith.constant 0 : i32
      %dma_wait3A_620 = tpu.memref_slice %arg18[%mul3A_352, %dma_wait3A_619] : memref<1024x16xf32, #tpu.memory_space<vmem_shared>> -> memref<64x16xf32, #tpu.memory_space<vmem_shared>>
      tpu.wait_dma2 semaphore(%run_scoped3A : memref<!tpu.dma_semaphore, #tpu.memory_space<semaphore_mem>>) src(%arg15 : memref<64x16xf32, #tpu.memory_space<vmem>>) dst(%dma_wait3A_620 : memref<64x16xf32, #tpu.memory_space<vmem_shared>>)
      tpu.yield
    }) : () -> ()
    %barrier3A = arith.constant 0 : index
    tpu.barrier barrier_id(%barrier3A)
    %dma_wait3A = arith.constant 0 : i32
    %dma_wait3A_353 = arith.constant 0 : i32
    %dma_wait3A_354 = tpu.memref_slice %arg11[%dma_wait3A, %dma_wait3A_353] : memref<25x128xi32, #tpu.memory_space<vmem>> -> memref<1x128xi32, #tpu.memory_space<vmem>>
    %dma_wait3A_355 = tpu.memref_squeeze %dma_wait3A_354 : memref<1x128xi32, #tpu.memory_space<vmem>> -> memref<128xi32, #tpu.memory_space<vmem>>
    %dma_wait3A_356 = tpu.memref_slice %arg3[%multiple_of3A_31] : memref<100000xi32, #tpu.memory_space<hbm>> -> memref<128xi32, #tpu.memory_space<hbm>>
    %dma_wait3A_357 = arith.constant 0 : i32
    %dma_wait3A_358 = tpu.memref_slice %arg11[%dma_wait3A, %dma_wait3A_357] : memref<25x128xi32, #tpu.memory_space<vmem>> -> memref<1x128xi32, #tpu.memory_space<vmem>>
    %dma_wait3A_359 = tpu.memref_squeeze %dma_wait3A_358 : memref<1x128xi32, #tpu.memory_space<vmem>> -> memref<128xi32, #tpu.memory_space<vmem>>
    %dma_wait3A_360 = tpu.memref_slice %arg3[%multiple_of3A_31] : memref<100000xi32, #tpu.memory_space<hbm>> -> memref<128xi32, #tpu.memory_space<hbm>>
    tpu.wait_dma2 semaphore(%arg19 : memref<!tpu.dma_semaphore, #tpu.memory_space<semaphore_mem>>) src(%dma_wait3A_360 : memref<128xi32, #tpu.memory_space<hbm>>) dst(%dma_wait3A_359 : memref<128xi32, #tpu.memory_space<vmem>>)
    %dma_wait3A_361 = arith.constant 1 : i32
    %dma_wait3A_362 = arith.constant 0 : i32
    %dma_wait3A_363 = tpu.memref_slice %arg11[%dma_wait3A_361, %dma_wait3A_362] : memref<25x128xi32, #tpu.memory_space<vmem>> -> memref<1x128xi32, #tpu.memory_space<vmem>>
    %dma_wait3A_364 = tpu.memref_squeeze %dma_wait3A_363 : memref<1x128xi32, #tpu.memory_space<vmem>> -> memref<128xi32, #tpu.memory_space<vmem>>
    %dma_wait3A_365 = tpu.memref_slice %arg3[%multiple_of3A_34] : memref<100000xi32, #tpu.memory_space<hbm>> -> memref<128xi32, #tpu.memory_space<hbm>>
    %dma_wait3A_366 = arith.constant 0 : i32
    %dma_wait3A_367 = tpu.memref_slice %arg11[%dma_wait3A_361, %dma_wait3A_366] : memref<25x128xi32, #tpu.memory_space<vmem>> -> memref<1x128xi32, #tpu.memory_space<vmem>>
    %dma_wait3A_368 = tpu.memref_squeeze %dma_wait3A_367 : memref<1x128xi32, #tpu.memory_space<vmem>> -> memref<128xi32, #tpu.memory_space<vmem>>
    %dma_wait3A_369 = tpu.memref_slice %arg3[%multiple_of3A_34] : memref<100000xi32, #tpu.memory_space<hbm>> -> memref<128xi32, #tpu.memory_space<hbm>>
    tpu.wait_dma2 semaphore(%arg19 : memref<!tpu.dma_semaphore, #tpu.memory_space<semaphore_mem>>) src(%dma_wait3A_369 : memref<128xi32, #tpu.memory_space<hbm>>) dst(%dma_wait3A_368 : memref<128xi32, #tpu.memory_space<vmem>>)
    %dma_wait3A_370 = arith.constant 2 : i32
    %dma_wait3A_371 = arith.constant 0 : i32
    %dma_wait3A_372 = tpu.memref_slice %arg11[%dma_wait3A_370, %dma_wait3A_371] : memref<25x128xi32, #tpu.memory_space<vmem>> -> memref<1x128xi32, #tpu.memory_space<vmem>>
    %dma_wait3A_373 = tpu.memref_squeeze %dma_wait3A_372 : memref<1x128xi32, #tpu.memory_space<vmem>> -> memref<128xi32, #tpu.memory_space<vmem>>
    %dma_wait3A_374 = tpu.memref_slice %arg3[%multiple_of3A_37] : memref<100000xi32, #tpu.memory_space<hbm>> -> memref<128xi32, #tpu.memory_space<hbm>>
    %dma_wait3A_375 = arith.constant 0 : i32
    %dma_wait3A_376 = tpu.memref_slice %arg11[%dma_wait3A_370, %dma_wait3A_375] : memref<25x128xi32, #tpu.memory_space<vmem>> -> memref<1x128xi32, #tpu.memory_space<vmem>>
    %dma_wait3A_377 = tpu.memref_squeeze %dma_wait3A_376 : memref<1x128xi32, #tpu.memory_space<vmem>> -> memref<128xi32, #tpu.memory_space<vmem>>
    %dma_wait3A_378 = tpu.memref_slice %arg3[%multiple_of3A_37] : memref<100000xi32, #tpu.memory_space<hbm>> -> memref<128xi32, #tpu.memory_space<hbm>>
    tpu.wait_dma2 semaphore(%arg19 : memref<!tpu.dma_semaphore, #tpu.memory_space<semaphore_mem>>) src(%dma_wait3A_378 : memref<128xi32, #tpu.memory_space<hbm>>) dst(%dma_wait3A_377 : memref<128xi32, #tpu.memory_space<vmem>>)
    %dma_wait3A_379 = arith.constant 3 : i32
    %dma_wait3A_380 = arith.constant 0 : i32
    %dma_wait3A_381 = tpu.memref_slice %arg11[%dma_wait3A_379, %dma_wait3A_380] : memref<25x128xi32, #tpu.memory_space<vmem>> -> memref<1x128xi32, #tpu.memory_space<vmem>>
    %dma_wait3A_382 = tpu.memref_squeeze %dma_wait3A_381 : memref<1x128xi32, #tpu.memory_space<vmem>> -> memref<128xi32, #tpu.memory_space<vmem>>
    %dma_wait3A_383 = tpu.memref_slice %arg3[%multiple_of3A_40] : memref<100000xi32, #tpu.memory_space<hbm>> -> memref<128xi32, #tpu.memory_space<hbm>>
    %dma_wait3A_384 = arith.constant 0 : i32
    %dma_wait3A_385 = tpu.memref_slice %arg11[%dma_wait3A_379, %dma_wait3A_384] : memref<25x128xi32, #tpu.memory_space<vmem>> -> memref<1x128xi32, #tpu.memory_space<vmem>>
    %dma_wait3A_386 = tpu.memref_squeeze %dma_wait3A_385 : memref<1x128xi32, #tpu.memory_space<vmem>> -> memref<128xi32, #tpu.memory_space<vmem>>
    %dma_wait3A_387 = tpu.memref_slice %arg3[%multiple_of3A_40] : memref<100000xi32, #tpu.memory_space<hbm>> -> memref<128xi32, #tpu.memory_space<hbm>>
    tpu.wait_dma2 semaphore(%arg19 : memref<!tpu.dma_semaphore, #tpu.memory_space<semaphore_mem>>) src(%dma_wait3A_387 : memref<128xi32, #tpu.memory_space<hbm>>) dst(%dma_wait3A_386 : memref<128xi32, #tpu.memory_space<vmem>>)
    %dma_wait3A_388 = arith.constant 4 : i32
    %dma_wait3A_389 = arith.constant 0 : i32
    %dma_wait3A_390 = tpu.memref_slice %arg11[%dma_wait3A_388, %dma_wait3A_389] : memref<25x128xi32, #tpu.memory_space<vmem>> -> memref<1x128xi32, #tpu.memory_space<vmem>>
    %dma_wait3A_391 = tpu.memref_squeeze %dma_wait3A_390 : memref<1x128xi32, #tpu.memory_space<vmem>> -> memref<128xi32, #tpu.memory_space<vmem>>
    %dma_wait3A_392 = tpu.memref_slice %arg3[%multiple_of3A_43] : memref<100000xi32, #tpu.memory_space<hbm>> -> memref<128xi32, #tpu.memory_space<hbm>>
    %dma_wait3A_393 = arith.constant 0 : i32
    %dma_wait3A_394 = tpu.memref_slice %arg11[%dma_wait3A_388, %dma_wait3A_393] : memref<25x128xi32, #tpu.memory_space<vmem>> -> memref<1x128xi32, #tpu.memory_space<vmem>>
    %dma_wait3A_395 = tpu.memref_squeeze %dma_wait3A_394 : memref<1x128xi32, #tpu.memory_space<vmem>> -> memref<128xi32, #tpu.memory_space<vmem>>
    %dma_wait3A_396 = tpu.memref_slice %arg3[%multiple_of3A_43] : memref<100000xi32, #tpu.memory_space<hbm>> -> memref<128xi32, #tpu.memory_space<hbm>>
    tpu.wait_dma2 semaphore(%arg19 : memref<!tpu.dma_semaphore, #tpu.memory_space<semaphore_mem>>) src(%dma_wait3A_396 : memref<128xi32, #tpu.memory_space<hbm>>) dst(%dma_wait3A_395 : memref<128xi32, #tpu.memory_space<vmem>>)
    %dma_wait3A_397 = arith.constant 5 : i32
    %dma_wait3A_398 = arith.constant 0 : i32
    %dma_wait3A_399 = tpu.memref_slice %arg11[%dma_wait3A_397, %dma_wait3A_398] : memref<25x128xi32, #tpu.memory_space<vmem>> -> memref<1x128xi32, #tpu.memory_space<vmem>>
    %dma_wait3A_400 = tpu.memref_squeeze %dma_wait3A_399 : memref<1x128xi32, #tpu.memory_space<vmem>> -> memref<128xi32, #tpu.memory_space<vmem>>
    %dma_wait3A_401 = tpu.memref_slice %arg3[%multiple_of3A_46] : memref<100000xi32, #tpu.memory_space<hbm>> -> memref<128xi32, #tpu.memory_space<hbm>>
    %dma_wait3A_402 = arith.constant 0 : i32
    %dma_wait3A_403 = tpu.memref_slice %arg11[%dma_wait3A_397, %dma_wait3A_402] : memref<25x128xi32, #tpu.memory_space<vmem>> -> memref<1x128xi32, #tpu.memory_space<vmem>>
    %dma_wait3A_404 = tpu.memref_squeeze %dma_wait3A_403 : memref<1x128xi32, #tpu.memory_space<vmem>> -> memref<128xi32, #tpu.memory_space<vmem>>
    %dma_wait3A_405 = tpu.memref_slice %arg3[%multiple_of3A_46] : memref<100000xi32, #tpu.memory_space<hbm>> -> memref<128xi32, #tpu.memory_space<hbm>>
    tpu.wait_dma2 semaphore(%arg19 : memref<!tpu.dma_semaphore, #tpu.memory_space<semaphore_mem>>) src(%dma_wait3A_405 : memref<128xi32, #tpu.memory_space<hbm>>) dst(%dma_wait3A_404 : memref<128xi32, #tpu.memory_space<vmem>>)
    %dma_wait3A_406 = arith.constant 6 : i32
    %dma_wait3A_407 = arith.constant 0 : i32
    %dma_wait3A_408 = tpu.memref_slice %arg11[%dma_wait3A_406, %dma_wait3A_407] : memref<25x128xi32, #tpu.memory_space<vmem>> -> memref<1x128xi32, #tpu.memory_space<vmem>>
    %dma_wait3A_409 = tpu.memref_squeeze %dma_wait3A_408 : memref<1x128xi32, #tpu.memory_space<vmem>> -> memref<128xi32, #tpu.memory_space<vmem>>
    %dma_wait3A_410 = tpu.memref_slice %arg3[%multiple_of3A_49] : memref<100000xi32, #tpu.memory_space<hbm>> -> memref<128xi32, #tpu.memory_space<hbm>>
    %dma_wait3A_411 = arith.constant 0 : i32
    %dma_wait3A_412 = tpu.memref_slice %arg11[%dma_wait3A_406, %dma_wait3A_411] : memref<25x128xi32, #tpu.memory_space<vmem>> -> memref<1x128xi32, #tpu.memory_space<vmem>>
    %dma_wait3A_413 = tpu.memref_squeeze %dma_wait3A_412 : memref<1x128xi32, #tpu.memory_space<vmem>> -> memref<128xi32, #tpu.memory_space<vmem>>
    %dma_wait3A_414 = tpu.memref_slice %arg3[%multiple_of3A_49] : memref<100000xi32, #tpu.memory_space<hbm>> -> memref<128xi32, #tpu.memory_space<hbm>>
    tpu.wait_dma2 semaphore(%arg19 : memref<!tpu.dma_semaphore, #tpu.memory_space<semaphore_mem>>) src(%dma_wait3A_414 : memref<128xi32, #tpu.memory_space<hbm>>) dst(%dma_wait3A_413 : memref<128xi32, #tpu.memory_space<vmem>>)
    %dma_wait3A_415 = arith.constant 7 : i32
    %dma_wait3A_416 = arith.constant 0 : i32
    %dma_wait3A_417 = tpu.memref_slice %arg11[%dma_wait3A_415, %dma_wait3A_416] : memref<25x128xi32, #tpu.memory_space<vmem>> -> memref<1x128xi32, #tpu.memory_space<vmem>>
    %dma_wait3A_418 = tpu.memref_squeeze %dma_wait3A_417 : memref<1x128xi32, #tpu.memory_space<vmem>> -> memref<128xi32, #tpu.memory_space<vmem>>
    %dma_wait3A_419 = tpu.memref_slice %arg3[%multiple_of3A_52] : memref<100000xi32, #tpu.memory_space<hbm>> -> memref<128xi32, #tpu.memory_space<hbm>>
    %dma_wait3A_420 = arith.constant 0 : i32
    %dma_wait3A_421 = tpu.memref_slice %arg11[%dma_wait3A_415, %dma_wait3A_420] : memref<25x128xi32, #tpu.memory_space<vmem>> -> memref<1x128xi32, #tpu.memory_space<vmem>>
    %dma_wait3A_422 = tpu.memref_squeeze %dma_wait3A_421 : memref<1x128xi32, #tpu.memory_space<vmem>> -> memref<128xi32, #tpu.memory_space<vmem>>
    %dma_wait3A_423 = tpu.memref_slice %arg3[%multiple_of3A_52] : memref<100000xi32, #tpu.memory_space<hbm>> -> memref<128xi32, #tpu.memory_space<hbm>>
    tpu.wait_dma2 semaphore(%arg19 : memref<!tpu.dma_semaphore, #tpu.memory_space<semaphore_mem>>) src(%dma_wait3A_423 : memref<128xi32, #tpu.memory_space<hbm>>) dst(%dma_wait3A_422 : memref<128xi32, #tpu.memory_space<vmem>>)
    %dma_wait3A_424 = arith.constant 8 : i32
    %dma_wait3A_425 = arith.constant 0 : i32
    %dma_wait3A_426 = tpu.memref_slice %arg11[%dma_wait3A_424, %dma_wait3A_425] : memref<25x128xi32, #tpu.memory_space<vmem>> -> memref<1x128xi32, #tpu.memory_space<vmem>>
    %dma_wait3A_427 = tpu.memref_squeeze %dma_wait3A_426 : memref<1x128xi32, #tpu.memory_space<vmem>> -> memref<128xi32, #tpu.memory_space<vmem>>
    %dma_wait3A_428 = tpu.memref_slice %arg3[%multiple_of3A_55] : memref<100000xi32, #tpu.memory_space<hbm>> -> memref<128xi32, #tpu.memory_space<hbm>>
    %dma_wait3A_429 = arith.constant 0 : i32
    %dma_wait3A_430 = tpu.memref_slice %arg11[%dma_wait3A_424, %dma_wait3A_429] : memref<25x128xi32, #tpu.memory_space<vmem>> -> memref<1x128xi32, #tpu.memory_space<vmem>>
    %dma_wait3A_431 = tpu.memref_squeeze %dma_wait3A_430 : memref<1x128xi32, #tpu.memory_space<vmem>> -> memref<128xi32, #tpu.memory_space<vmem>>
    %dma_wait3A_432 = tpu.memref_slice %arg3[%multiple_of3A_55] : memref<100000xi32, #tpu.memory_space<hbm>> -> memref<128xi32, #tpu.memory_space<hbm>>
    tpu.wait_dma2 semaphore(%arg19 : memref<!tpu.dma_semaphore, #tpu.memory_space<semaphore_mem>>) src(%dma_wait3A_432 : memref<128xi32, #tpu.memory_space<hbm>>) dst(%dma_wait3A_431 : memref<128xi32, #tpu.memory_space<vmem>>)
    %dma_wait3A_433 = arith.constant 9 : i32
    %dma_wait3A_434 = arith.constant 0 : i32
    %dma_wait3A_435 = tpu.memref_slice %arg11[%dma_wait3A_433, %dma_wait3A_434] : memref<25x128xi32, #tpu.memory_space<vmem>> -> memref<1x128xi32, #tpu.memory_space<vmem>>
    %dma_wait3A_436 = tpu.memref_squeeze %dma_wait3A_435 : memref<1x128xi32, #tpu.memory_space<vmem>> -> memref<128xi32, #tpu.memory_space<vmem>>
    %dma_wait3A_437 = tpu.memref_slice %arg3[%multiple_of3A_58] : memref<100000xi32, #tpu.memory_space<hbm>> -> memref<128xi32, #tpu.memory_space<hbm>>
    %dma_wait3A_438 = arith.constant 0 : i32
    %dma_wait3A_439 = tpu.memref_slice %arg11[%dma_wait3A_433, %dma_wait3A_438] : memref<25x128xi32, #tpu.memory_space<vmem>> -> memref<1x128xi32, #tpu.memory_space<vmem>>
    %dma_wait3A_440 = tpu.memref_squeeze %dma_wait3A_439 : memref<1x128xi32, #tpu.memory_space<vmem>> -> memref<128xi32, #tpu.memory_space<vmem>>
    %dma_wait3A_441 = tpu.memref_slice %arg3[%multiple_of3A_58] : memref<100000xi32, #tpu.memory_space<hbm>> -> memref<128xi32, #tpu.memory_space<hbm>>
    tpu.wait_dma2 semaphore(%arg19 : memref<!tpu.dma_semaphore, #tpu.memory_space<semaphore_mem>>) src(%dma_wait3A_441 : memref<128xi32, #tpu.memory_space<hbm>>) dst(%dma_wait3A_440 : memref<128xi32, #tpu.memory_space<vmem>>)
    %dma_wait3A_442 = arith.constant 10 : i32
    %dma_wait3A_443 = arith.constant 0 : i32
    %dma_wait3A_444 = tpu.memref_slice %arg11[%dma_wait3A_442, %dma_wait3A_443] : memref<25x128xi32, #tpu.memory_space<vmem>> -> memref<1x128xi32, #tpu.memory_space<vmem>>
    %dma_wait3A_445 = tpu.memref_squeeze %dma_wait3A_444 : memref<1x128xi32, #tpu.memory_space<vmem>> -> memref<128xi32, #tpu.memory_space<vmem>>
    %dma_wait3A_446 = tpu.memref_slice %arg3[%multiple_of3A_61] : memref<100000xi32, #tpu.memory_space<hbm>> -> memref<128xi32, #tpu.memory_space<hbm>>
    %dma_wait3A_447 = arith.constant 0 : i32
    %dma_wait3A_448 = tpu.memref_slice %arg11[%dma_wait3A_442, %dma_wait3A_447] : memref<25x128xi32, #tpu.memory_space<vmem>> -> memref<1x128xi32, #tpu.memory_space<vmem>>
    %dma_wait3A_449 = tpu.memref_squeeze %dma_wait3A_448 : memref<1x128xi32, #tpu.memory_space<vmem>> -> memref<128xi32, #tpu.memory_space<vmem>>
    %dma_wait3A_450 = tpu.memref_slice %arg3[%multiple_of3A_61] : memref<100000xi32, #tpu.memory_space<hbm>> -> memref<128xi32, #tpu.memory_space<hbm>>
    tpu.wait_dma2 semaphore(%arg19 : memref<!tpu.dma_semaphore, #tpu.memory_space<semaphore_mem>>) src(%dma_wait3A_450 : memref<128xi32, #tpu.memory_space<hbm>>) dst(%dma_wait3A_449 : memref<128xi32, #tpu.memory_space<vmem>>)
    %dma_wait3A_451 = arith.constant 11 : i32
    %dma_wait3A_452 = arith.constant 0 : i32
    %dma_wait3A_453 = tpu.memref_slice %arg11[%dma_wait3A_451, %dma_wait3A_452] : memref<25x128xi32, #tpu.memory_space<vmem>> -> memref<1x128xi32, #tpu.memory_space<vmem>>
    %dma_wait3A_454 = tpu.memref_squeeze %dma_wait3A_453 : memref<1x128xi32, #tpu.memory_space<vmem>> -> memref<128xi32, #tpu.memory_space<vmem>>
    %dma_wait3A_455 = tpu.memref_slice %arg3[%multiple_of3A_64] : memref<100000xi32, #tpu.memory_space<hbm>> -> memref<128xi32, #tpu.memory_space<hbm>>
    %dma_wait3A_456 = arith.constant 0 : i32
    %dma_wait3A_457 = tpu.memref_slice %arg11[%dma_wait3A_451, %dma_wait3A_456] : memref<25x128xi32, #tpu.memory_space<vmem>> -> memref<1x128xi32, #tpu.memory_space<vmem>>
    %dma_wait3A_458 = tpu.memref_squeeze %dma_wait3A_457 : memref<1x128xi32, #tpu.memory_space<vmem>> -> memref<128xi32, #tpu.memory_space<vmem>>
    %dma_wait3A_459 = tpu.memref_slice %arg3[%multiple_of3A_64] : memref<100000xi32, #tpu.memory_space<hbm>> -> memref<128xi32, #tpu.memory_space<hbm>>
    tpu.wait_dma2 semaphore(%arg19 : memref<!tpu.dma_semaphore, #tpu.memory_space<semaphore_mem>>) src(%dma_wait3A_459 : memref<128xi32, #tpu.memory_space<hbm>>) dst(%dma_wait3A_458 : memref<128xi32, #tpu.memory_space<vmem>>)
    %dma_wait3A_460 = arith.constant 12 : i32
    %dma_wait3A_461 = arith.constant 0 : i32
    %dma_wait3A_462 = tpu.memref_slice %arg11[%dma_wait3A_460, %dma_wait3A_461] : memref<25x128xi32, #tpu.memory_space<vmem>> -> memref<1x128xi32, #tpu.memory_space<vmem>>
    %dma_wait3A_463 = tpu.memref_squeeze %dma_wait3A_462 : memref<1x128xi32, #tpu.memory_space<vmem>> -> memref<128xi32, #tpu.memory_space<vmem>>
    %dma_wait3A_464 = tpu.memref_slice %arg3[%multiple_of3A_67] : memref<100000xi32, #tpu.memory_space<hbm>> -> memref<128xi32, #tpu.memory_space<hbm>>
    %dma_wait3A_465 = arith.constant 0 : i32
    %dma_wait3A_466 = tpu.memref_slice %arg11[%dma_wait3A_460, %dma_wait3A_465] : memref<25x128xi32, #tpu.memory_space<vmem>> -> memref<1x128xi32, #tpu.memory_space<vmem>>
    %dma_wait3A_467 = tpu.memref_squeeze %dma_wait3A_466 : memref<1x128xi32, #tpu.memory_space<vmem>> -> memref<128xi32, #tpu.memory_space<vmem>>
    %dma_wait3A_468 = tpu.memref_slice %arg3[%multiple_of3A_67] : memref<100000xi32, #tpu.memory_space<hbm>> -> memref<128xi32, #tpu.memory_space<hbm>>
    tpu.wait_dma2 semaphore(%arg19 : memref<!tpu.dma_semaphore, #tpu.memory_space<semaphore_mem>>) src(%dma_wait3A_468 : memref<128xi32, #tpu.memory_space<hbm>>) dst(%dma_wait3A_467 : memref<128xi32, #tpu.memory_space<vmem>>)
    %dma_wait3A_469 = arith.constant 13 : i32
    %dma_wait3A_470 = arith.constant 0 : i32
    %dma_wait3A_471 = tpu.memref_slice %arg11[%dma_wait3A_469, %dma_wait3A_470] : memref<25x128xi32, #tpu.memory_space<vmem>> -> memref<1x128xi32, #tpu.memory_space<vmem>>
    %dma_wait3A_472 = tpu.memref_squeeze %dma_wait3A_471 : memref<1x128xi32, #tpu.memory_space<vmem>> -> memref<128xi32, #tpu.memory_space<vmem>>
    %dma_wait3A_473 = tpu.memref_slice %arg3[%multiple_of3A_70] : memref<100000xi32, #tpu.memory_space<hbm>> -> memref<128xi32, #tpu.memory_space<hbm>>
    %dma_wait3A_474 = arith.constant 0 : i32
    %dma_wait3A_475 = tpu.memref_slice %arg11[%dma_wait3A_469, %dma_wait3A_474] : memref<25x128xi32, #tpu.memory_space<vmem>> -> memref<1x128xi32, #tpu.memory_space<vmem>>
    %dma_wait3A_476 = tpu.memref_squeeze %dma_wait3A_475 : memref<1x128xi32, #tpu.memory_space<vmem>> -> memref<128xi32, #tpu.memory_space<vmem>>
    %dma_wait3A_477 = tpu.memref_slice %arg3[%multiple_of3A_70] : memref<100000xi32, #tpu.memory_space<hbm>> -> memref<128xi32, #tpu.memory_space<hbm>>
    tpu.wait_dma2 semaphore(%arg19 : memref<!tpu.dma_semaphore, #tpu.memory_space<semaphore_mem>>) src(%dma_wait3A_477 : memref<128xi32, #tpu.memory_space<hbm>>) dst(%dma_wait3A_476 : memref<128xi32, #tpu.memory_space<vmem>>)
    %dma_wait3A_478 = arith.constant 14 : i32
    %dma_wait3A_479 = arith.constant 0 : i32
    %dma_wait3A_480 = tpu.memref_slice %arg11[%dma_wait3A_478, %dma_wait3A_479] : memref<25x128xi32, #tpu.memory_space<vmem>> -> memref<1x128xi32, #tpu.memory_space<vmem>>
    %dma_wait3A_481 = tpu.memref_squeeze %dma_wait3A_480 : memref<1x128xi32, #tpu.memory_space<vmem>> -> memref<128xi32, #tpu.memory_space<vmem>>
    %dma_wait3A_482 = tpu.memref_slice %arg3[%multiple_of3A_73] : memref<100000xi32, #tpu.memory_space<hbm>> -> memref<128xi32, #tpu.memory_space<hbm>>
    %dma_wait3A_483 = arith.constant 0 : i32
    %dma_wait3A_484 = tpu.memref_slice %arg11[%dma_wait3A_478, %dma_wait3A_483] : memref<25x128xi32, #tpu.memory_space<vmem>> -> memref<1x128xi32, #tpu.memory_space<vmem>>
    %dma_wait3A_485 = tpu.memref_squeeze %dma_wait3A_484 : memref<1x128xi32, #tpu.memory_space<vmem>> -> memref<128xi32, #tpu.memory_space<vmem>>
    %dma_wait3A_486 = tpu.memref_slice %arg3[%multiple_of3A_73] : memref<100000xi32, #tpu.memory_space<hbm>> -> memref<128xi32, #tpu.memory_space<hbm>>
    tpu.wait_dma2 semaphore(%arg19 : memref<!tpu.dma_semaphore, #tpu.memory_space<semaphore_mem>>) src(%dma_wait3A_486 : memref<128xi32, #tpu.memory_space<hbm>>) dst(%dma_wait3A_485 : memref<128xi32, #tpu.memory_space<vmem>>)
    %dma_wait3A_487 = arith.constant 15 : i32
    %dma_wait3A_488 = arith.constant 0 : i32
    %dma_wait3A_489 = tpu.memref_slice %arg11[%dma_wait3A_487, %dma_wait3A_488] : memref<25x128xi32, #tpu.memory_space<vmem>> -> memref<1x128xi32, #tpu.memory_space<vmem>>
    %dma_wait3A_490 = tpu.memref_squeeze %dma_wait3A_489 : memref<1x128xi32, #tpu.memory_space<vmem>> -> memref<128xi32, #tpu.memory_space<vmem>>
    %dma_wait3A_491 = tpu.memref_slice %arg3[%multiple_of3A_76] : memref<100000xi32, #tpu.memory_space<hbm>> -> memref<128xi32, #tpu.memory_space<hbm>>
    %dma_wait3A_492 = arith.constant 0 : i32
    %dma_wait3A_493 = tpu.memref_slice %arg11[%dma_wait3A_487, %dma_wait3A_492] : memref<25x128xi32, #tpu.memory_space<vmem>> -> memref<1x128xi32, #tpu.memory_space<vmem>>
    %dma_wait3A_494 = tpu.memref_squeeze %dma_wait3A_493 : memref<1x128xi32, #tpu.memory_space<vmem>> -> memref<128xi32, #tpu.memory_space<vmem>>
    %dma_wait3A_495 = tpu.memref_slice %arg3[%multiple_of3A_76] : memref<100000xi32, #tpu.memory_space<hbm>> -> memref<128xi32, #tpu.memory_space<hbm>>
    tpu.wait_dma2 semaphore(%arg19 : memref<!tpu.dma_semaphore, #tpu.memory_space<semaphore_mem>>) src(%dma_wait3A_495 : memref<128xi32, #tpu.memory_space<hbm>>) dst(%dma_wait3A_494 : memref<128xi32, #tpu.memory_space<vmem>>)
    %dma_wait3A_496 = arith.constant 16 : i32
    %dma_wait3A_497 = arith.constant 0 : i32
    %dma_wait3A_498 = tpu.memref_slice %arg11[%dma_wait3A_496, %dma_wait3A_497] : memref<25x128xi32, #tpu.memory_space<vmem>> -> memref<1x128xi32, #tpu.memory_space<vmem>>
    %dma_wait3A_499 = tpu.memref_squeeze %dma_wait3A_498 : memref<1x128xi32, #tpu.memory_space<vmem>> -> memref<128xi32, #tpu.memory_space<vmem>>
    %dma_wait3A_500 = tpu.memref_slice %arg3[%multiple_of3A_79] : memref<100000xi32, #tpu.memory_space<hbm>> -> memref<128xi32, #tpu.memory_space<hbm>>
    %dma_wait3A_501 = arith.constant 0 : i32
    %dma_wait3A_502 = tpu.memref_slice %arg11[%dma_wait3A_496, %dma_wait3A_501] : memref<25x128xi32, #tpu.memory_space<vmem>> -> memref<1x128xi32, #tpu.memory_space<vmem>>
    %dma_wait3A_503 = tpu.memref_squeeze %dma_wait3A_502 : memref<1x128xi32, #tpu.memory_space<vmem>> -> memref<128xi32, #tpu.memory_space<vmem>>
    %dma_wait3A_504 = tpu.memref_slice %arg3[%multiple_of3A_79] : memref<100000xi32, #tpu.memory_space<hbm>> -> memref<128xi32, #tpu.memory_space<hbm>>
    tpu.wait_dma2 semaphore(%arg19 : memref<!tpu.dma_semaphore, #tpu.memory_space<semaphore_mem>>) src(%dma_wait3A_504 : memref<128xi32, #tpu.memory_space<hbm>>) dst(%dma_wait3A_503 : memref<128xi32, #tpu.memory_space<vmem>>)
    %dma_wait3A_505 = arith.constant 17 : i32
    %dma_wait3A_506 = arith.constant 0 : i32
    %dma_wait3A_507 = tpu.memref_slice %arg11[%dma_wait3A_505, %dma_wait3A_506] : memref<25x128xi32, #tpu.memory_space<vmem>> -> memref<1x128xi32, #tpu.memory_space<vmem>>
    %dma_wait3A_508 = tpu.memref_squeeze %dma_wait3A_507 : memref<1x128xi32, #tpu.memory_space<vmem>> -> memref<128xi32, #tpu.memory_space<vmem>>
    %dma_wait3A_509 = tpu.memref_slice %arg3[%multiple_of3A_82] : memref<100000xi32, #tpu.memory_space<hbm>> -> memref<128xi32, #tpu.memory_space<hbm>>
    %dma_wait3A_510 = arith.constant 0 : i32
    %dma_wait3A_511 = tpu.memref_slice %arg11[%dma_wait3A_505, %dma_wait3A_510] : memref<25x128xi32, #tpu.memory_space<vmem>> -> memref<1x128xi32, #tpu.memory_space<vmem>>
    %dma_wait3A_512 = tpu.memref_squeeze %dma_wait3A_511 : memref<1x128xi32, #tpu.memory_space<vmem>> -> memref<128xi32, #tpu.memory_space<vmem>>
    %dma_wait3A_513 = tpu.memref_slice %arg3[%multiple_of3A_82] : memref<100000xi32, #tpu.memory_space<hbm>> -> memref<128xi32, #tpu.memory_space<hbm>>
    tpu.wait_dma2 semaphore(%arg19 : memref<!tpu.dma_semaphore, #tpu.memory_space<semaphore_mem>>) src(%dma_wait3A_513 : memref<128xi32, #tpu.memory_space<hbm>>) dst(%dma_wait3A_512 : memref<128xi32, #tpu.memory_space<vmem>>)
    %dma_wait3A_514 = arith.constant 18 : i32
    %dma_wait3A_515 = arith.constant 0 : i32
    %dma_wait3A_516 = tpu.memref_slice %arg11[%dma_wait3A_514, %dma_wait3A_515] : memref<25x128xi32, #tpu.memory_space<vmem>> -> memref<1x128xi32, #tpu.memory_space<vmem>>
    %dma_wait3A_517 = tpu.memref_squeeze %dma_wait3A_516 : memref<1x128xi32, #tpu.memory_space<vmem>> -> memref<128xi32, #tpu.memory_space<vmem>>
    %dma_wait3A_518 = tpu.memref_slice %arg3[%multiple_of3A_85] : memref<100000xi32, #tpu.memory_space<hbm>> -> memref<128xi32, #tpu.memory_space<hbm>>
    %dma_wait3A_519 = arith.constant 0 : i32
    %dma_wait3A_520 = tpu.memref_slice %arg11[%dma_wait3A_514, %dma_wait3A_519] : memref<25x128xi32, #tpu.memory_space<vmem>> -> memref<1x128xi32, #tpu.memory_space<vmem>>
    %dma_wait3A_521 = tpu.memref_squeeze %dma_wait3A_520 : memref<1x128xi32, #tpu.memory_space<vmem>> -> memref<128xi32, #tpu.memory_space<vmem>>
    %dma_wait3A_522 = tpu.memref_slice %arg3[%multiple_of3A_85] : memref<100000xi32, #tpu.memory_space<hbm>> -> memref<128xi32, #tpu.memory_space<hbm>>
    tpu.wait_dma2 semaphore(%arg19 : memref<!tpu.dma_semaphore, #tpu.memory_space<semaphore_mem>>) src(%dma_wait3A_522 : memref<128xi32, #tpu.memory_space<hbm>>) dst(%dma_wait3A_521 : memref<128xi32, #tpu.memory_space<vmem>>)
    %dma_wait3A_523 = arith.constant 19 : i32
    %dma_wait3A_524 = arith.constant 0 : i32
    %dma_wait3A_525 = tpu.memref_slice %arg11[%dma_wait3A_523, %dma_wait3A_524] : memref<25x128xi32, #tpu.memory_space<vmem>> -> memref<1x128xi32, #tpu.memory_space<vmem>>
    %dma_wait3A_526 = tpu.memref_squeeze %dma_wait3A_525 : memref<1x128xi32, #tpu.memory_space<vmem>> -> memref<128xi32, #tpu.memory_space<vmem>>
    %dma_wait3A_527 = tpu.memref_slice %arg3[%multiple_of3A_88] : memref<100000xi32, #tpu.memory_space<hbm>> -> memref<128xi32, #tpu.memory_space<hbm>>
    %dma_wait3A_528 = arith.constant 0 : i32
    %dma_wait3A_529 = tpu.memref_slice %arg11[%dma_wait3A_523, %dma_wait3A_528] : memref<25x128xi32, #tpu.memory_space<vmem>> -> memref<1x128xi32, #tpu.memory_space<vmem>>
    %dma_wait3A_530 = tpu.memref_squeeze %dma_wait3A_529 : memref<1x128xi32, #tpu.memory_space<vmem>> -> memref<128xi32, #tpu.memory_space<vmem>>
    %dma_wait3A_531 = tpu.memref_slice %arg3[%multiple_of3A_88] : memref<100000xi32, #tpu.memory_space<hbm>> -> memref<128xi32, #tpu.memory_space<hbm>>
    tpu.wait_dma2 semaphore(%arg19 : memref<!tpu.dma_semaphore, #tpu.memory_space<semaphore_mem>>) src(%dma_wait3A_531 : memref<128xi32, #tpu.memory_space<hbm>>) dst(%dma_wait3A_530 : memref<128xi32, #tpu.memory_space<vmem>>)
    %dma_wait3A_532 = arith.constant 20 : i32
    %dma_wait3A_533 = arith.constant 0 : i32
    %dma_wait3A_534 = tpu.memref_slice %arg11[%dma_wait3A_532, %dma_wait3A_533] : memref<25x128xi32, #tpu.memory_space<vmem>> -> memref<1x128xi32, #tpu.memory_space<vmem>>
    %dma_wait3A_535 = tpu.memref_squeeze %dma_wait3A_534 : memref<1x128xi32, #tpu.memory_space<vmem>> -> memref<128xi32, #tpu.memory_space<vmem>>
    %dma_wait3A_536 = tpu.memref_slice %arg3[%multiple_of3A_91] : memref<100000xi32, #tpu.memory_space<hbm>> -> memref<128xi32, #tpu.memory_space<hbm>>
    %dma_wait3A_537 = arith.constant 0 : i32
    %dma_wait3A_538 = tpu.memref_slice %arg11[%dma_wait3A_532, %dma_wait3A_537] : memref<25x128xi32, #tpu.memory_space<vmem>> -> memref<1x128xi32, #tpu.memory_space<vmem>>
    %dma_wait3A_539 = tpu.memref_squeeze %dma_wait3A_538 : memref<1x128xi32, #tpu.memory_space<vmem>> -> memref<128xi32, #tpu.memory_space<vmem>>
    %dma_wait3A_540 = tpu.memref_slice %arg3[%multiple_of3A_91] : memref<100000xi32, #tpu.memory_space<hbm>> -> memref<128xi32, #tpu.memory_space<hbm>>
    tpu.wait_dma2 semaphore(%arg19 : memref<!tpu.dma_semaphore, #tpu.memory_space<semaphore_mem>>) src(%dma_wait3A_540 : memref<128xi32, #tpu.memory_space<hbm>>) dst(%dma_wait3A_539 : memref<128xi32, #tpu.memory_space<vmem>>)
    %dma_wait3A_541 = arith.constant 21 : i32
    %dma_wait3A_542 = arith.constant 0 : i32
    %dma_wait3A_543 = tpu.memref_slice %arg11[%dma_wait3A_541, %dma_wait3A_542] : memref<25x128xi32, #tpu.memory_space<vmem>> -> memref<1x128xi32, #tpu.memory_space<vmem>>
    %dma_wait3A_544 = tpu.memref_squeeze %dma_wait3A_543 : memref<1x128xi32, #tpu.memory_space<vmem>> -> memref<128xi32, #tpu.memory_space<vmem>>
    %dma_wait3A_545 = tpu.memref_slice %arg3[%multiple_of3A_94] : memref<100000xi32, #tpu.memory_space<hbm>> -> memref<128xi32, #tpu.memory_space<hbm>>
    %dma_wait3A_546 = arith.constant 0 : i32
    %dma_wait3A_547 = tpu.memref_slice %arg11[%dma_wait3A_541, %dma_wait3A_546] : memref<25x128xi32, #tpu.memory_space<vmem>> -> memref<1x128xi32, #tpu.memory_space<vmem>>
    %dma_wait3A_548 = tpu.memref_squeeze %dma_wait3A_547 : memref<1x128xi32, #tpu.memory_space<vmem>> -> memref<128xi32, #tpu.memory_space<vmem>>
    %dma_wait3A_549 = tpu.memref_slice %arg3[%multiple_of3A_94] : memref<100000xi32, #tpu.memory_space<hbm>> -> memref<128xi32, #tpu.memory_space<hbm>>
    tpu.wait_dma2 semaphore(%arg19 : memref<!tpu.dma_semaphore, #tpu.memory_space<semaphore_mem>>) src(%dma_wait3A_549 : memref<128xi32, #tpu.memory_space<hbm>>) dst(%dma_wait3A_548 : memref<128xi32, #tpu.memory_space<vmem>>)
    %dma_wait3A_550 = arith.constant 22 : i32
    %dma_wait3A_551 = arith.constant 0 : i32
    %dma_wait3A_552 = tpu.memref_slice %arg11[%dma_wait3A_550, %dma_wait3A_551] : memref<25x128xi32, #tpu.memory_space<vmem>> -> memref<1x128xi32, #tpu.memory_space<vmem>>
    %dma_wait3A_553 = tpu.memref_squeeze %dma_wait3A_552 : memref<1x128xi32, #tpu.memory_space<vmem>> -> memref<128xi32, #tpu.memory_space<vmem>>
    %dma_wait3A_554 = tpu.memref_slice %arg3[%multiple_of3A_97] : memref<100000xi32, #tpu.memory_space<hbm>> -> memref<128xi32, #tpu.memory_space<hbm>>
    %dma_wait3A_555 = arith.constant 0 : i32
    %dma_wait3A_556 = tpu.memref_slice %arg11[%dma_wait3A_550, %dma_wait3A_555] : memref<25x128xi32, #tpu.memory_space<vmem>> -> memref<1x128xi32, #tpu.memory_space<vmem>>
    %dma_wait3A_557 = tpu.memref_squeeze %dma_wait3A_556 : memref<1x128xi32, #tpu.memory_space<vmem>> -> memref<128xi32, #tpu.memory_space<vmem>>
    %dma_wait3A_558 = tpu.memref_slice %arg3[%multiple_of3A_97] : memref<100000xi32, #tpu.memory_space<hbm>> -> memref<128xi32, #tpu.memory_space<hbm>>
    tpu.wait_dma2 semaphore(%arg19 : memref<!tpu.dma_semaphore, #tpu.memory_space<semaphore_mem>>) src(%dma_wait3A_558 : memref<128xi32, #tpu.memory_space<hbm>>) dst(%dma_wait3A_557 : memref<128xi32, #tpu.memory_space<vmem>>)
    %dma_wait3A_559 = arith.constant 23 : i32
    %dma_wait3A_560 = arith.constant 0 : i32
    %dma_wait3A_561 = tpu.memref_slice %arg11[%dma_wait3A_559, %dma_wait3A_560] : memref<25x128xi32, #tpu.memory_space<vmem>> -> memref<1x128xi32, #tpu.memory_space<vmem>>
    %dma_wait3A_562 = tpu.memref_squeeze %dma_wait3A_561 : memref<1x128xi32, #tpu.memory_space<vmem>> -> memref<128xi32, #tpu.memory_space<vmem>>
    %dma_wait3A_563 = tpu.memref_slice %arg3[%multiple_of3A_100] : memref<100000xi32, #tpu.memory_space<hbm>> -> memref<128xi32, #tpu.memory_space<hbm>>
    %dma_wait3A_564 = arith.constant 0 : i32
    %dma_wait3A_565 = tpu.memref_slice %arg11[%dma_wait3A_559, %dma_wait3A_564] : memref<25x128xi32, #tpu.memory_space<vmem>> -> memref<1x128xi32, #tpu.memory_space<vmem>>
    %dma_wait3A_566 = tpu.memref_squeeze %dma_wait3A_565 : memref<1x128xi32, #tpu.memory_space<vmem>> -> memref<128xi32, #tpu.memory_space<vmem>>
    %dma_wait3A_567 = tpu.memref_slice %arg3[%multiple_of3A_100] : memref<100000xi32, #tpu.memory_space<hbm>> -> memref<128xi32, #tpu.memory_space<hbm>>
    tpu.wait_dma2 semaphore(%arg19 : memref<!tpu.dma_semaphore, #tpu.memory_space<semaphore_mem>>) src(%dma_wait3A_567 : memref<128xi32, #tpu.memory_space<hbm>>) dst(%dma_wait3A_566 : memref<128xi32, #tpu.memory_space<vmem>>)
    %dma_wait3A_568 = arith.constant 24 : i32
    %dma_wait3A_569 = arith.constant 0 : i32
    %dma_wait3A_570 = tpu.memref_slice %arg11[%dma_wait3A_568, %dma_wait3A_569] : memref<25x128xi32, #tpu.memory_space<vmem>> -> memref<1x128xi32, #tpu.memory_space<vmem>>
    %dma_wait3A_571 = tpu.memref_squeeze %dma_wait3A_570 : memref<1x128xi32, #tpu.memory_space<vmem>> -> memref<128xi32, #tpu.memory_space<vmem>>
    %dma_wait3A_572 = tpu.memref_slice %arg3[%multiple_of3A_103] : memref<100000xi32, #tpu.memory_space<hbm>> -> memref<128xi32, #tpu.memory_space<hbm>>
    %dma_wait3A_573 = arith.constant 0 : i32
    %dma_wait3A_574 = tpu.memref_slice %arg11[%dma_wait3A_568, %dma_wait3A_573] : memref<25x128xi32, #tpu.memory_space<vmem>> -> memref<1x128xi32, #tpu.memory_space<vmem>>
    %dma_wait3A_575 = tpu.memref_squeeze %dma_wait3A_574 : memref<1x128xi32, #tpu.memory_space<vmem>> -> memref<128xi32, #tpu.memory_space<vmem>>
    %dma_wait3A_576 = tpu.memref_slice %arg3[%multiple_of3A_103] : memref<100000xi32, #tpu.memory_space<hbm>> -> memref<128xi32, #tpu.memory_space<hbm>>
    tpu.wait_dma2 semaphore(%arg19 : memref<!tpu.dma_semaphore, #tpu.memory_space<semaphore_mem>>) src(%dma_wait3A_576 : memref<128xi32, #tpu.memory_space<hbm>>) dst(%dma_wait3A_575 : memref<128xi32, #tpu.memory_space<vmem>>)
    %scan3A_577 = arith.constant 0 : i32
    %scan3A_578 = arith.constant 0 : i32
    %scan3A_579 = arith.constant 8 : i32
    %scan3A_580 = arith.addi %scan3A_578, %scan3A_579 : i32
    %scan3A_581 = arith.constant 1 : i32
    %scan3A_582 = scf.for %scan3A_613 = %scan3A_578 to %scan3A_580 step %scan3A_581 iter_args(%scan3A_614 = %scan3A_577) -> (i32)  : i32 {
      %mul3A_615 = arith.constant 4 : i32
      %mul3A_616 = arith.muli %scan3A_613, %mul3A_615 : i32
      %add3A_617 = arith.constant 0 : i32
      %add3A_618 = arith.addi %mul3A_616, %add3A_617 : i32
      %ge3A = arith.constant 1 : i32
      %ge3A_619 = arith.cmpi sge, %add3A_618, %ge3A : i32
      %sub3A = arith.constant 1 : i32
      %sub3A_620 = arith.subi %add3A_618, %sub3A : i32
      %lt3A_621 = arith.cmpi slt, %sub3A_620, %select_n3A : i32
      %and3A = arith.andi %ge3A_619, %lt3A_621 : i1
      %convert_element_type3A_622 = arith.extui %and3A : i1 to i32
      %cond3A_623 = arith.constant 0 : i32
      %cond3A_624 = arith.cmpi ne, %convert_element_type3A_622, %cond3A_623 : i32
      scf.if %cond3A_624 {
        %sub3A_699 = arith.constant 1 : i32
        %sub3A_700 = arith.subi %add3A_618, %sub3A_699 : i32
        %dma_wait3A_701 = arith.constant 0 : i32
        %dma_wait3A_702 = tpu.memref_slice %arg11[%sub3A_700, %dma_wait3A_701] : memref<25x128xi32, #tpu.memory_space<vmem>> -> memref<1x128xi32, #tpu.memory_space<vmem>>
        %dma_wait3A_703 = tpu.memref_squeeze %dma_wait3A_702 : memref<1x128xi32, #tpu.memory_space<vmem>> -> memref<128xi32, #tpu.memory_space<vmem>>
        %dma_wait3A_704 = arith.constant 0 : i32
        %dma_wait3A_705 = arith.constant 0 : i32
        %dma_wait3A_706 = tpu.memref_slice %arg17[%dma_wait3A_704, %dma_wait3A_705] : memref<1024x128xf32, #tpu.memory_space<vmem_shared>> -> memref<1024x128xf32, #tpu.memory_space<vmem_shared>>
        tpu.wait_indirect_dma semaphore(%arg27 : memref<!tpu.dma_semaphore, #tpu.memory_space<semaphore_mem>>) src(%arg9 : memref<128x128xf32, #tpu.memory_space<vmem>>) dst(%dma_wait3A_706 : memref<1024x128xf32, #tpu.memory_space<vmem_shared>>)
      } else {
      }
      %add3A_625 = arith.constant 3 : i32
      %add3A_626 = arith.addi %add3A_618, %add3A_625 : i32
      %lt3A_627 = arith.cmpi slt, %add3A_626, %select_n3A : i32
      %convert_element_type3A_628 = arith.extui %lt3A_627 : i1 to i32
      %cond3A_629 = arith.constant 0 : i32
      %cond3A_630 = arith.cmpi ne, %convert_element_type3A_628, %cond3A_629 : i32
      scf.if %cond3A_630 {
        %mul3A_699 = arith.constant 128 : i32
        %mul3A_700 = arith.muli %add3A_626, %mul3A_699 : i32
        %add3A_701 = arith.addi %multiple_of3A, %mul3A_700 : i32
        %multiple_of3A_702 = tpu.assume_multiple %add3A_701, 8 : i32
        %dma_start3A_703 = arith.constant 0 : i32
        %dma_start3A_704 = tpu.memref_slice %arg2[%multiple_of3A_702, %dma_start3A_703] : memref<100000x128xf32, #tpu.memory_space<hbm>> -> memref<128x128xf32, #tpu.memory_space<hbm>>
        %dma_start3A_705 = arith.constant 0 : i32
        %dma_start3A_706 = tpu.memref_slice %arg2[%multiple_of3A_702, %dma_start3A_705] : memref<100000x128xf32, #tpu.memory_space<hbm>> -> memref<128x128xf32, #tpu.memory_space<hbm>>
        tpu.enqueue_dma source(%dma_start3A_706 : memref<128x128xf32, #tpu.memory_space<hbm>>) target(%arg9 : memref<128x128xf32, #tpu.memory_space<vmem>>) target_semaphore(%arg23 : memref<!tpu.dma_semaphore, #tpu.memory_space<semaphore_mem>>)
      } else {
      }
      %lt3A_631 = arith.cmpi slt, %add3A_618, %select_n3A : i32
      %convert_element_type3A_632 = arith.extui %lt3A_631 : i1 to i32
      %cond3A_633 = arith.constant 0 : i32
      %cond3A_634 = arith.cmpi ne, %convert_element_type3A_632, %cond3A_633 : i32
      scf.if %cond3A_634 {
        %mul3A_699 = arith.constant 128 : i32
        %mul3A_700 = arith.muli %add3A_618, %mul3A_699 : i32
        %add3A_701 = arith.addi %multiple_of3A, %mul3A_700 : i32
        %multiple_of3A_702 = tpu.assume_multiple %add3A_701, 8 : i32
        %dma_wait3A_703 = arith.constant 0 : i32
        %dma_wait3A_704 = tpu.memref_slice %arg2[%multiple_of3A_702, %dma_wait3A_703] : memref<100000x128xf32, #tpu.memory_space<hbm>> -> memref<128x128xf32, #tpu.memory_space<hbm>>
        %dma_wait3A_705 = arith.constant 0 : i32
        %dma_wait3A_706 = tpu.memref_slice %arg2[%multiple_of3A_702, %dma_wait3A_705] : memref<100000x128xf32, #tpu.memory_space<hbm>> -> memref<128x128xf32, #tpu.memory_space<hbm>>
        tpu.wait_dma2 semaphore(%arg20 : memref<!tpu.dma_semaphore, #tpu.memory_space<semaphore_mem>>) src(%dma_wait3A_706 : memref<128x128xf32, #tpu.memory_space<hbm>>) dst(%arg6 : memref<128x128xf32, #tpu.memory_space<vmem>>)
        %dma_start3A_707 = arith.constant 0 : i32
        %dma_start3A_708 = tpu.memref_slice %arg11[%add3A_618, %dma_start3A_707] : memref<25x128xi32, #tpu.memory_space<vmem>> -> memref<1x128xi32, #tpu.memory_space<vmem>>
        %dma_start3A_709 = tpu.memref_squeeze %dma_start3A_708 : memref<1x128xi32, #tpu.memory_space<vmem>> -> memref<128xi32, #tpu.memory_space<vmem>>
        %dma_start3A_710 = arith.constant 0 : i32
        %dma_start3A_711 = arith.constant 0 : i32
        %dma_start3A_712 = tpu.memref_slice %arg18[%dma_start3A_710, %dma_start3A_711] : memref<1024x16xf32, #tpu.memory_space<vmem_shared>> -> memref<1024x16xf32, #tpu.memory_space<vmem_shared>>
        tpu.enqueue_indirect_dma source(%arg13 : memref<128x16xf32, #tpu.memory_space<vmem>>) target(%dma_start3A_712 : memref<1024x16xf32, #tpu.memory_space<vmem_shared>>) offsets(%dma_start3A_709 : memref<128xi32, #tpu.memory_space<vmem>>) semaphore(%arg28 : memref<!tpu.dma_semaphore, #tpu.memory_space<semaphore_mem>>) {add = true}
        %dma_start3A_713 = arith.constant 0 : i32
        %dma_start3A_714 = tpu.memref_slice %arg11[%add3A_618, %dma_start3A_713] : memref<25x128xi32, #tpu.memory_space<vmem>> -> memref<1x128xi32, #tpu.memory_space<vmem>>
        %dma_start3A_715 = tpu.memref_squeeze %dma_start3A_714 : memref<1x128xi32, #tpu.memory_space<vmem>> -> memref<128xi32, #tpu.memory_space<vmem>>
        %dma_start3A_716 = arith.constant 0 : i32
        %dma_start3A_717 = arith.constant 0 : i32
        %dma_start3A_718 = tpu.memref_slice %arg17[%dma_start3A_716, %dma_start3A_717] : memref<1024x128xf32, #tpu.memory_space<vmem_shared>> -> memref<1024x128xf32, #tpu.memory_space<vmem_shared>>
        tpu.enqueue_indirect_dma source(%arg6 : memref<128x128xf32, #tpu.memory_space<vmem>>) target(%dma_start3A_718 : memref<1024x128xf32, #tpu.memory_space<vmem_shared>>) offsets(%dma_start3A_715 : memref<128xi32, #tpu.memory_space<vmem>>) semaphore(%arg24 : memref<!tpu.dma_semaphore, #tpu.memory_space<semaphore_mem>>) {add = true}
      } else {
      }
      %add3A_635 = arith.constant 1 : i32
      %add3A_636 = arith.addi %mul3A_616, %add3A_635 : i32
      %ge3A_637 = arith.constant 1 : i32
      %ge3A_638 = arith.cmpi sge, %add3A_636, %ge3A_637 : i32
      %sub3A_639 = arith.constant 1 : i32
      %sub3A_640 = arith.subi %add3A_636, %sub3A_639 : i32
      %lt3A_641 = arith.cmpi slt, %sub3A_640, %select_n3A : i32
      %and3A_642 = arith.andi %ge3A_638, %lt3A_641 : i1
      %convert_element_type3A_643 = arith.extui %and3A_642 : i1 to i32
      %cond3A_644 = arith.constant 0 : i32
      %cond3A_645 = arith.cmpi ne, %convert_element_type3A_643, %cond3A_644 : i32
      scf.if %cond3A_645 {
        %sub3A_699 = arith.constant 1 : i32
        %sub3A_700 = arith.subi %add3A_636, %sub3A_699 : i32
        %dma_wait3A_701 = arith.constant 0 : i32
        %dma_wait3A_702 = tpu.memref_slice %arg11[%sub3A_700, %dma_wait3A_701] : memref<25x128xi32, #tpu.memory_space<vmem>> -> memref<1x128xi32, #tpu.memory_space<vmem>>
        %dma_wait3A_703 = tpu.memref_squeeze %dma_wait3A_702 : memref<1x128xi32, #tpu.memory_space<vmem>> -> memref<128xi32, #tpu.memory_space<vmem>>
        %dma_wait3A_704 = arith.constant 0 : i32
        %dma_wait3A_705 = arith.constant 0 : i32
        %dma_wait3A_706 = tpu.memref_slice %arg17[%dma_wait3A_704, %dma_wait3A_705] : memref<1024x128xf32, #tpu.memory_space<vmem_shared>> -> memref<1024x128xf32, #tpu.memory_space<vmem_shared>>
        tpu.wait_indirect_dma semaphore(%arg24 : memref<!tpu.dma_semaphore, #tpu.memory_space<semaphore_mem>>) src(%arg6 : memref<128x128xf32, #tpu.memory_space<vmem>>) dst(%dma_wait3A_706 : memref<1024x128xf32, #tpu.memory_space<vmem_shared>>)
      } else {
      }
      %add3A_646 = arith.constant 3 : i32
      %add3A_647 = arith.addi %add3A_636, %add3A_646 : i32
      %lt3A_648 = arith.cmpi slt, %add3A_647, %select_n3A : i32
      %convert_element_type3A_649 = arith.extui %lt3A_648 : i1 to i32
      %cond3A_650 = arith.constant 0 : i32
      %cond3A_651 = arith.cmpi ne, %convert_element_type3A_649, %cond3A_650 : i32
      scf.if %cond3A_651 {
        %mul3A_699 = arith.constant 128 : i32
        %mul3A_700 = arith.muli %add3A_647, %mul3A_699 : i32
        %add3A_701 = arith.addi %multiple_of3A, %mul3A_700 : i32
        %multiple_of3A_702 = tpu.assume_multiple %add3A_701, 8 : i32
        %dma_start3A_703 = arith.constant 0 : i32
        %dma_start3A_704 = tpu.memref_slice %arg2[%multiple_of3A_702, %dma_start3A_703] : memref<100000x128xf32, #tpu.memory_space<hbm>> -> memref<128x128xf32, #tpu.memory_space<hbm>>
        %dma_start3A_705 = arith.constant 0 : i32
        %dma_start3A_706 = tpu.memref_slice %arg2[%multiple_of3A_702, %dma_start3A_705] : memref<100000x128xf32, #tpu.memory_space<hbm>> -> memref<128x128xf32, #tpu.memory_space<hbm>>
        tpu.enqueue_dma source(%dma_start3A_706 : memref<128x128xf32, #tpu.memory_space<hbm>>) target(%arg6 : memref<128x128xf32, #tpu.memory_space<vmem>>) target_semaphore(%arg20 : memref<!tpu.dma_semaphore, #tpu.memory_space<semaphore_mem>>)
      } else {
      }
      %lt3A_652 = arith.cmpi slt, %add3A_636, %select_n3A : i32
      %convert_element_type3A_653 = arith.extui %lt3A_652 : i1 to i32
      %cond3A_654 = arith.constant 0 : i32
      %cond3A_655 = arith.cmpi ne, %convert_element_type3A_653, %cond3A_654 : i32
      scf.if %cond3A_655 {
        %mul3A_699 = arith.constant 128 : i32
        %mul3A_700 = arith.muli %add3A_636, %mul3A_699 : i32
        %add3A_701 = arith.addi %multiple_of3A, %mul3A_700 : i32
        %multiple_of3A_702 = tpu.assume_multiple %add3A_701, 8 : i32
        %dma_wait3A_703 = arith.constant 0 : i32
        %dma_wait3A_704 = tpu.memref_slice %arg2[%multiple_of3A_702, %dma_wait3A_703] : memref<100000x128xf32, #tpu.memory_space<hbm>> -> memref<128x128xf32, #tpu.memory_space<hbm>>
        %dma_wait3A_705 = arith.constant 0 : i32
        %dma_wait3A_706 = tpu.memref_slice %arg2[%multiple_of3A_702, %dma_wait3A_705] : memref<100000x128xf32, #tpu.memory_space<hbm>> -> memref<128x128xf32, #tpu.memory_space<hbm>>
        tpu.wait_dma2 semaphore(%arg21 : memref<!tpu.dma_semaphore, #tpu.memory_space<semaphore_mem>>) src(%dma_wait3A_706 : memref<128x128xf32, #tpu.memory_space<hbm>>) dst(%arg7 : memref<128x128xf32, #tpu.memory_space<vmem>>)
        %dma_start3A_707 = arith.constant 0 : i32
        %dma_start3A_708 = tpu.memref_slice %arg11[%add3A_636, %dma_start3A_707] : memref<25x128xi32, #tpu.memory_space<vmem>> -> memref<1x128xi32, #tpu.memory_space<vmem>>
        %dma_start3A_709 = tpu.memref_squeeze %dma_start3A_708 : memref<1x128xi32, #tpu.memory_space<vmem>> -> memref<128xi32, #tpu.memory_space<vmem>>
        %dma_start3A_710 = arith.constant 0 : i32
        %dma_start3A_711 = arith.constant 0 : i32
        %dma_start3A_712 = tpu.memref_slice %arg18[%dma_start3A_710, %dma_start3A_711] : memref<1024x16xf32, #tpu.memory_space<vmem_shared>> -> memref<1024x16xf32, #tpu.memory_space<vmem_shared>>
        tpu.enqueue_indirect_dma source(%arg13 : memref<128x16xf32, #tpu.memory_space<vmem>>) target(%dma_start3A_712 : memref<1024x16xf32, #tpu.memory_space<vmem_shared>>) offsets(%dma_start3A_709 : memref<128xi32, #tpu.memory_space<vmem>>) semaphore(%arg28 : memref<!tpu.dma_semaphore, #tpu.memory_space<semaphore_mem>>) {add = true}
        %dma_start3A_713 = arith.constant 0 : i32
        %dma_start3A_714 = tpu.memref_slice %arg11[%add3A_636, %dma_start3A_713] : memref<25x128xi32, #tpu.memory_space<vmem>> -> memref<1x128xi32, #tpu.memory_space<vmem>>
        %dma_start3A_715 = tpu.memref_squeeze %dma_start3A_714 : memref<1x128xi32, #tpu.memory_space<vmem>> -> memref<128xi32, #tpu.memory_space<vmem>>
        %dma_start3A_716 = arith.constant 0 : i32
        %dma_start3A_717 = arith.constant 0 : i32
        %dma_start3A_718 = tpu.memref_slice %arg17[%dma_start3A_716, %dma_start3A_717] : memref<1024x128xf32, #tpu.memory_space<vmem_shared>> -> memref<1024x128xf32, #tpu.memory_space<vmem_shared>>
        tpu.enqueue_indirect_dma source(%arg7 : memref<128x128xf32, #tpu.memory_space<vmem>>) target(%dma_start3A_718 : memref<1024x128xf32, #tpu.memory_space<vmem_shared>>) offsets(%dma_start3A_715 : memref<128xi32, #tpu.memory_space<vmem>>) semaphore(%arg25 : memref<!tpu.dma_semaphore, #tpu.memory_space<semaphore_mem>>) {add = true}
      } else {
      }
      %add3A_656 = arith.constant 2 : i32
      %add3A_657 = arith.addi %mul3A_616, %add3A_656 : i32
      %ge3A_658 = arith.constant 1 : i32
      %ge3A_659 = arith.cmpi sge, %add3A_657, %ge3A_658 : i32
      %sub3A_660 = arith.constant 1 : i32
      %sub3A_661 = arith.subi %add3A_657, %sub3A_660 : i32
      %lt3A_662 = arith.cmpi slt, %sub3A_661, %select_n3A : i32
      %and3A_663 = arith.andi %ge3A_659, %lt3A_662 : i1
      %convert_element_type3A_664 = arith.extui %and3A_663 : i1 to i32
      %cond3A_665 = arith.constant 0 : i32
      %cond3A_666 = arith.cmpi ne, %convert_element_type3A_664, %cond3A_665 : i32
      scf.if %cond3A_666 {
        %sub3A_699 = arith.constant 1 : i32
        %sub3A_700 = arith.subi %add3A_657, %sub3A_699 : i32
        %dma_wait3A_701 = arith.constant 0 : i32
        %dma_wait3A_702 = tpu.memref_slice %arg11[%sub3A_700, %dma_wait3A_701] : memref<25x128xi32, #tpu.memory_space<vmem>> -> memref<1x128xi32, #tpu.memory_space<vmem>>
        %dma_wait3A_703 = tpu.memref_squeeze %dma_wait3A_702 : memref<1x128xi32, #tpu.memory_space<vmem>> -> memref<128xi32, #tpu.memory_space<vmem>>
        %dma_wait3A_704 = arith.constant 0 : i32
        %dma_wait3A_705 = arith.constant 0 : i32
        %dma_wait3A_706 = tpu.memref_slice %arg17[%dma_wait3A_704, %dma_wait3A_705] : memref<1024x128xf32, #tpu.memory_space<vmem_shared>> -> memref<1024x128xf32, #tpu.memory_space<vmem_shared>>
        tpu.wait_indirect_dma semaphore(%arg25 : memref<!tpu.dma_semaphore, #tpu.memory_space<semaphore_mem>>) src(%arg7 : memref<128x128xf32, #tpu.memory_space<vmem>>) dst(%dma_wait3A_706 : memref<1024x128xf32, #tpu.memory_space<vmem_shared>>)
      } else {
      }
      %add3A_667 = arith.constant 3 : i32
      %add3A_668 = arith.addi %add3A_657, %add3A_667 : i32
      %lt3A_669 = arith.cmpi slt, %add3A_668, %select_n3A : i32
      %convert_element_type3A_670 = arith.extui %lt3A_669 : i1 to i32
      %cond3A_671 = arith.constant 0 : i32
      %cond3A_672 = arith.cmpi ne, %convert_element_type3A_670, %cond3A_671 : i32
      scf.if %cond3A_672 {
        %mul3A_699 = arith.constant 128 : i32
        %mul3A_700 = arith.muli %add3A_668, %mul3A_699 : i32
        %add3A_701 = arith.addi %multiple_of3A, %mul3A_700 : i32
        %multiple_of3A_702 = tpu.assume_multiple %add3A_701, 8 : i32
        %dma_start3A_703 = arith.constant 0 : i32
        %dma_start3A_704 = tpu.memref_slice %arg2[%multiple_of3A_702, %dma_start3A_703] : memref<100000x128xf32, #tpu.memory_space<hbm>> -> memref<128x128xf32, #tpu.memory_space<hbm>>
        %dma_start3A_705 = arith.constant 0 : i32
        %dma_start3A_706 = tpu.memref_slice %arg2[%multiple_of3A_702, %dma_start3A_705] : memref<100000x128xf32, #tpu.memory_space<hbm>> -> memref<128x128xf32, #tpu.memory_space<hbm>>
        tpu.enqueue_dma source(%dma_start3A_706 : memref<128x128xf32, #tpu.memory_space<hbm>>) target(%arg7 : memref<128x128xf32, #tpu.memory_space<vmem>>) target_semaphore(%arg21 : memref<!tpu.dma_semaphore, #tpu.memory_space<semaphore_mem>>)
      } else {
      }
      %lt3A_673 = arith.cmpi slt, %add3A_657, %select_n3A : i32
      %convert_element_type3A_674 = arith.extui %lt3A_673 : i1 to i32
      %cond3A_675 = arith.constant 0 : i32
      %cond3A_676 = arith.cmpi ne, %convert_element_type3A_674, %cond3A_675 : i32
      scf.if %cond3A_676 {
        %mul3A_699 = arith.constant 128 : i32
        %mul3A_700 = arith.muli %add3A_657, %mul3A_699 : i32
        %add3A_701 = arith.addi %multiple_of3A, %mul3A_700 : i32
        %multiple_of3A_702 = tpu.assume_multiple %add3A_701, 8 : i32
        %dma_wait3A_703 = arith.constant 0 : i32
        %dma_wait3A_704 = tpu.memref_slice %arg2[%multiple_of3A_702, %dma_wait3A_703] : memref<100000x128xf32, #tpu.memory_space<hbm>> -> memref<128x128xf32, #tpu.memory_space<hbm>>
        %dma_wait3A_705 = arith.constant 0 : i32
        %dma_wait3A_706 = tpu.memref_slice %arg2[%multiple_of3A_702, %dma_wait3A_705] : memref<100000x128xf32, #tpu.memory_space<hbm>> -> memref<128x128xf32, #tpu.memory_space<hbm>>
        tpu.wait_dma2 semaphore(%arg22 : memref<!tpu.dma_semaphore, #tpu.memory_space<semaphore_mem>>) src(%dma_wait3A_706 : memref<128x128xf32, #tpu.memory_space<hbm>>) dst(%arg8 : memref<128x128xf32, #tpu.memory_space<vmem>>)
        %dma_start3A_707 = arith.constant 0 : i32
        %dma_start3A_708 = tpu.memref_slice %arg11[%add3A_657, %dma_start3A_707] : memref<25x128xi32, #tpu.memory_space<vmem>> -> memref<1x128xi32, #tpu.memory_space<vmem>>
        %dma_start3A_709 = tpu.memref_squeeze %dma_start3A_708 : memref<1x128xi32, #tpu.memory_space<vmem>> -> memref<128xi32, #tpu.memory_space<vmem>>
        %dma_start3A_710 = arith.constant 0 : i32
        %dma_start3A_711 = arith.constant 0 : i32
        %dma_start3A_712 = tpu.memref_slice %arg18[%dma_start3A_710, %dma_start3A_711] : memref<1024x16xf32, #tpu.memory_space<vmem_shared>> -> memref<1024x16xf32, #tpu.memory_space<vmem_shared>>
        tpu.enqueue_indirect_dma source(%arg13 : memref<128x16xf32, #tpu.memory_space<vmem>>) target(%dma_start3A_712 : memref<1024x16xf32, #tpu.memory_space<vmem_shared>>) offsets(%dma_start3A_709 : memref<128xi32, #tpu.memory_space<vmem>>) semaphore(%arg28 : memref<!tpu.dma_semaphore, #tpu.memory_space<semaphore_mem>>) {add = true}
        %dma_start3A_713 = arith.constant 0 : i32
        %dma_start3A_714 = tpu.memref_slice %arg11[%add3A_657, %dma_start3A_713] : memref<25x128xi32, #tpu.memory_space<vmem>> -> memref<1x128xi32, #tpu.memory_space<vmem>>
        %dma_start3A_715 = tpu.memref_squeeze %dma_start3A_714 : memref<1x128xi32, #tpu.memory_space<vmem>> -> memref<128xi32, #tpu.memory_space<vmem>>
        %dma_start3A_716 = arith.constant 0 : i32
        %dma_start3A_717 = arith.constant 0 : i32
        %dma_start3A_718 = tpu.memref_slice %arg17[%dma_start3A_716, %dma_start3A_717] : memref<1024x128xf32, #tpu.memory_space<vmem_shared>> -> memref<1024x128xf32, #tpu.memory_space<vmem_shared>>
        tpu.enqueue_indirect_dma source(%arg8 : memref<128x128xf32, #tpu.memory_space<vmem>>) target(%dma_start3A_718 : memref<1024x128xf32, #tpu.memory_space<vmem_shared>>) offsets(%dma_start3A_715 : memref<128xi32, #tpu.memory_space<vmem>>) semaphore(%arg26 : memref<!tpu.dma_semaphore, #tpu.memory_space<semaphore_mem>>) {add = true}
      } else {
      }
      %add3A_677 = arith.constant 3 : i32
      %add3A_678 = arith.addi %mul3A_616, %add3A_677 : i32
      %ge3A_679 = arith.constant 1 : i32
      %ge3A_680 = arith.cmpi sge, %add3A_678, %ge3A_679 : i32
      %sub3A_681 = arith.constant 1 : i32
      %sub3A_682 = arith.subi %add3A_678, %sub3A_681 : i32
      %lt3A_683 = arith.cmpi slt, %sub3A_682, %select_n3A : i32
      %and3A_684 = arith.andi %ge3A_680, %lt3A_683 : i1
      %convert_element_type3A_685 = arith.extui %and3A_684 : i1 to i32
      %cond3A_686 = arith.constant 0 : i32
      %cond3A_687 = arith.cmpi ne, %convert_element_type3A_685, %cond3A_686 : i32
      scf.if %cond3A_687 {
        %sub3A_699 = arith.constant 1 : i32
        %sub3A_700 = arith.subi %add3A_678, %sub3A_699 : i32
        %dma_wait3A_701 = arith.constant 0 : i32
        %dma_wait3A_702 = tpu.memref_slice %arg11[%sub3A_700, %dma_wait3A_701] : memref<25x128xi32, #tpu.memory_space<vmem>> -> memref<1x128xi32, #tpu.memory_space<vmem>>
        %dma_wait3A_703 = tpu.memref_squeeze %dma_wait3A_702 : memref<1x128xi32, #tpu.memory_space<vmem>> -> memref<128xi32, #tpu.memory_space<vmem>>
        %dma_wait3A_704 = arith.constant 0 : i32
        %dma_wait3A_705 = arith.constant 0 : i32
        %dma_wait3A_706 = tpu.memref_slice %arg17[%dma_wait3A_704, %dma_wait3A_705] : memref<1024x128xf32, #tpu.memory_space<vmem_shared>> -> memref<1024x128xf32, #tpu.memory_space<vmem_shared>>
        tpu.wait_indirect_dma semaphore(%arg26 : memref<!tpu.dma_semaphore, #tpu.memory_space<semaphore_mem>>) src(%arg8 : memref<128x128xf32, #tpu.memory_space<vmem>>) dst(%dma_wait3A_706 : memref<1024x128xf32, #tpu.memory_space<vmem_shared>>)
      } else {
      }
      %add3A_688 = arith.constant 3 : i32
      %add3A_689 = arith.addi %add3A_678, %add3A_688 : i32
      %lt3A_690 = arith.cmpi slt, %add3A_689, %select_n3A : i32
      %convert_element_type3A_691 = arith.extui %lt3A_690 : i1 to i32
      %cond3A_692 = arith.constant 0 : i32
      %cond3A_693 = arith.cmpi ne, %convert_element_type3A_691, %cond3A_692 : i32
      scf.if %cond3A_693 {
        %mul3A_699 = arith.constant 128 : i32
        %mul3A_700 = arith.muli %add3A_689, %mul3A_699 : i32
        %add3A_701 = arith.addi %multiple_of3A, %mul3A_700 : i32
        %multiple_of3A_702 = tpu.assume_multiple %add3A_701, 8 : i32
        %dma_start3A_703 = arith.constant 0 : i32
        %dma_start3A_704 = tpu.memref_slice %arg2[%multiple_of3A_702, %dma_start3A_703] : memref<100000x128xf32, #tpu.memory_space<hbm>> -> memref<128x128xf32, #tpu.memory_space<hbm>>
        %dma_start3A_705 = arith.constant 0 : i32
        %dma_start3A_706 = tpu.memref_slice %arg2[%multiple_of3A_702, %dma_start3A_705] : memref<100000x128xf32, #tpu.memory_space<hbm>> -> memref<128x128xf32, #tpu.memory_space<hbm>>
        tpu.enqueue_dma source(%dma_start3A_706 : memref<128x128xf32, #tpu.memory_space<hbm>>) target(%arg8 : memref<128x128xf32, #tpu.memory_space<vmem>>) target_semaphore(%arg22 : memref<!tpu.dma_semaphore, #tpu.memory_space<semaphore_mem>>)
      } else {
      }
      %lt3A_694 = arith.cmpi slt, %add3A_678, %select_n3A : i32
      %convert_element_type3A_695 = arith.extui %lt3A_694 : i1 to i32
      %cond3A_696 = arith.constant 0 : i32
      %cond3A_697 = arith.cmpi ne, %convert_element_type3A_695, %cond3A_696 : i32
      scf.if %cond3A_697 {
        %mul3A_699 = arith.constant 128 : i32
        %mul3A_700 = arith.muli %add3A_678, %mul3A_699 : i32
        %add3A_701 = arith.addi %multiple_of3A, %mul3A_700 : i32
        %multiple_of3A_702 = tpu.assume_multiple %add3A_701, 8 : i32
        %dma_wait3A_703 = arith.constant 0 : i32
        %dma_wait3A_704 = tpu.memref_slice %arg2[%multiple_of3A_702, %dma_wait3A_703] : memref<100000x128xf32, #tpu.memory_space<hbm>> -> memref<128x128xf32, #tpu.memory_space<hbm>>
        %dma_wait3A_705 = arith.constant 0 : i32
        %dma_wait3A_706 = tpu.memref_slice %arg2[%multiple_of3A_702, %dma_wait3A_705] : memref<100000x128xf32, #tpu.memory_space<hbm>> -> memref<128x128xf32, #tpu.memory_space<hbm>>
        tpu.wait_dma2 semaphore(%arg23 : memref<!tpu.dma_semaphore, #tpu.memory_space<semaphore_mem>>) src(%dma_wait3A_706 : memref<128x128xf32, #tpu.memory_space<hbm>>) dst(%arg9 : memref<128x128xf32, #tpu.memory_space<vmem>>)
        %dma_start3A_707 = arith.constant 0 : i32
        %dma_start3A_708 = tpu.memref_slice %arg11[%add3A_678, %dma_start3A_707] : memref<25x128xi32, #tpu.memory_space<vmem>> -> memref<1x128xi32, #tpu.memory_space<vmem>>
        %dma_start3A_709 = tpu.memref_squeeze %dma_start3A_708 : memref<1x128xi32, #tpu.memory_space<vmem>> -> memref<128xi32, #tpu.memory_space<vmem>>
        %dma_start3A_710 = arith.constant 0 : i32
        %dma_start3A_711 = arith.constant 0 : i32
        %dma_start3A_712 = tpu.memref_slice %arg18[%dma_start3A_710, %dma_start3A_711] : memref<1024x16xf32, #tpu.memory_space<vmem_shared>> -> memref<1024x16xf32, #tpu.memory_space<vmem_shared>>
        tpu.enqueue_indirect_dma source(%arg13 : memref<128x16xf32, #tpu.memory_space<vmem>>) target(%dma_start3A_712 : memref<1024x16xf32, #tpu.memory_space<vmem_shared>>) offsets(%dma_start3A_709 : memref<128xi32, #tpu.memory_space<vmem>>) semaphore(%arg28 : memref<!tpu.dma_semaphore, #tpu.memory_space<semaphore_mem>>) {add = true}
        %dma_start3A_713 = arith.constant 0 : i32
        %dma_start3A_714 = tpu.memref_slice %arg11[%add3A_678, %dma_start3A_713] : memref<25x128xi32, #tpu.memory_space<vmem>> -> memref<1x128xi32, #tpu.memory_space<vmem>>
        %dma_start3A_715 = tpu.memref_squeeze %dma_start3A_714 : memref<1x128xi32, #tpu.memory_space<vmem>> -> memref<128xi32, #tpu.memory_space<vmem>>
        %dma_start3A_716 = arith.constant 0 : i32
        %dma_start3A_717 = arith.constant 0 : i32
        %dma_start3A_718 = tpu.memref_slice %arg17[%dma_start3A_716, %dma_start3A_717] : memref<1024x128xf32, #tpu.memory_space<vmem_shared>> -> memref<1024x128xf32, #tpu.memory_space<vmem_shared>>
        tpu.enqueue_indirect_dma source(%arg9 : memref<128x128xf32, #tpu.memory_space<vmem>>) target(%dma_start3A_718 : memref<1024x128xf32, #tpu.memory_space<vmem_shared>>) offsets(%dma_start3A_715 : memref<128xi32, #tpu.memory_space<vmem>>) semaphore(%arg27 : memref<!tpu.dma_semaphore, #tpu.memory_space<semaphore_mem>>) {add = true}
      } else {
      }
      %scan3A_698 = arith.constant 0 : i32
      scf.yield %scan3A_698 : i32
    }
    %scan3A_583 = arith.constant 8 : i32
    %while3A = arith.constant 0 : i32
    %while3A_584 = arith.constant 0 : i32
    %while3A_585 = arith.subi %select_n3A, %while3A : i32
    %while3A_586 = arith.addi %while3A, %while3A_585 : i32
    %while3A_587 = arith.constant 1 : i32
    %while3A_588 = arith.divsi %while3A_585, %while3A_587 : i32
    %while3A_589 = arith.muli %while3A_588, %while3A_587 : i32
    %while3A_590 = arith.addi %while3A, %while3A_589 : i32
    %while3A_591 = arith.constant 1 : i32
    %while3A_592 = scf.for %while3A_613 = %while3A to %while3A_590 step %while3A_591 iter_args(%while3A_614 = %while3A_584) -> (i32)  : i32 {
      %dma_wait3A_615 = arith.constant 0 : i32
      %dma_wait3A_616 = arith.constant 0 : i32
      %dma_wait3A_617 = tpu.memref_slice %arg11[%dma_wait3A_615, %dma_wait3A_616] : memref<25x128xi32, #tpu.memory_space<vmem>> -> memref<1x128xi32, #tpu.memory_space<vmem>>
      %dma_wait3A_618 = tpu.memref_squeeze %dma_wait3A_617 : memref<1x128xi32, #tpu.memory_space<vmem>> -> memref<128xi32, #tpu.memory_space<vmem>>
      %dma_wait3A_619 = arith.constant 0 : i32
      %dma_wait3A_620 = arith.constant 0 : i32
      %dma_wait3A_621 = tpu.memref_slice %arg18[%dma_wait3A_619, %dma_wait3A_620] : memref<1024x16xf32, #tpu.memory_space<vmem_shared>> -> memref<1024x16xf32, #tpu.memory_space<vmem_shared>>
      tpu.wait_indirect_dma semaphore(%arg28 : memref<!tpu.dma_semaphore, #tpu.memory_space<semaphore_mem>>) src(%arg13 : memref<128x16xf32, #tpu.memory_space<vmem>>) dst(%dma_wait3A_621 : memref<1024x16xf32, #tpu.memory_space<vmem_shared>>)
      %while3A_622 = arith.constant 0 : i32
      scf.yield %while3A_622 : i32
    }
    %while3A_593 = arith.constant 1 : i32
    %while3A_594 = scf.for %while3A_613 = %while3A_590 to %while3A_586 step %while3A_593 iter_args(%while3A_614 = %while3A_592) -> (i32)  : i32 {
      %dma_wait3A_615 = arith.constant 0 : i32
      %dma_wait3A_616 = arith.constant 0 : i32
      %dma_wait3A_617 = tpu.memref_slice %arg11[%dma_wait3A_615, %dma_wait3A_616] : memref<25x128xi32, #tpu.memory_space<vmem>> -> memref<1x128xi32, #tpu.memory_space<vmem>>
      %dma_wait3A_618 = tpu.memref_squeeze %dma_wait3A_617 : memref<1x128xi32, #tpu.memory_space<vmem>> -> memref<128xi32, #tpu.memory_space<vmem>>
      %dma_wait3A_619 = arith.constant 0 : i32
      %dma_wait3A_620 = arith.constant 0 : i32
      %dma_wait3A_621 = tpu.memref_slice %arg18[%dma_wait3A_619, %dma_wait3A_620] : memref<1024x16xf32, #tpu.memory_space<vmem_shared>> -> memref<1024x16xf32, #tpu.memory_space<vmem_shared>>
      tpu.wait_indirect_dma semaphore(%arg28 : memref<!tpu.dma_semaphore, #tpu.memory_space<semaphore_mem>>) src(%arg13 : memref<128x16xf32, #tpu.memory_space<vmem>>) dst(%dma_wait3A_621 : memref<1024x16xf32, #tpu.memory_space<vmem_shared>>)
      %while3A_622 = arith.constant 0 : i32
      scf.yield %while3A_622 : i32
    }
    %eq3A = arith.constant 31 : i32
    %eq3A_595 = arith.cmpi eq, %add3A, %eq3A : i32
    %convert_element_type3A = arith.extui %eq3A_595 : i1 to i32
    %cond3A = arith.constant 0 : i32
    %cond3A_596 = arith.cmpi ne, %convert_element_type3A, %cond3A : i32
    scf.if %cond3A_596 {
      "tpu.region"() ({
        %run_scoped3A = tpu.sem_alloc : memref<!tpu.dma_semaphore, #tpu.memory_space<semaphore_mem>>
        %dma_start3A_613 = arith.constant 99968 : i32
        %dma_start3A_614 = tpu.memref_slice %arg3[%dma_start3A_613] : memref<100000xi32, #tpu.memory_space<hbm>> -> memref<32xi32, #tpu.memory_space<hbm>>
        %dma_start3A_615 = arith.constant 99968 : i32
        %dma_start3A_616 = tpu.memref_slice %arg3[%dma_start3A_615] : memref<100000xi32, #tpu.memory_space<hbm>> -> memref<32xi32, #tpu.memory_space<hbm>>
        tpu.enqueue_dma source(%dma_start3A_616 : memref<32xi32, #tpu.memory_space<hbm>>) target(%arg12 : memref<32xi32, #tpu.memory_space<vmem>>) target_semaphore(%run_scoped3A : memref<!tpu.dma_semaphore, #tpu.memory_space<semaphore_mem>>)
        %dma_wait3A_617 = arith.constant 99968 : i32
        %dma_wait3A_618 = tpu.memref_slice %arg3[%dma_wait3A_617] : memref<100000xi32, #tpu.memory_space<hbm>> -> memref<32xi32, #tpu.memory_space<hbm>>
        %dma_wait3A_619 = arith.constant 99968 : i32
        %dma_wait3A_620 = tpu.memref_slice %arg3[%dma_wait3A_619] : memref<100000xi32, #tpu.memory_space<hbm>> -> memref<32xi32, #tpu.memory_space<hbm>>
        tpu.wait_dma2 semaphore(%run_scoped3A : memref<!tpu.dma_semaphore, #tpu.memory_space<semaphore_mem>>) src(%dma_wait3A_620 : memref<32xi32, #tpu.memory_space<hbm>>) dst(%arg12 : memref<32xi32, #tpu.memory_space<vmem>>)
        tpu.yield
      }) : () -> ()
      "tpu.region"() ({
        %run_scoped3A = tpu.sem_alloc : memref<!tpu.dma_semaphore, #tpu.memory_space<semaphore_mem>>
        %dma_start3A_613 = arith.constant 99968 : i32
        %dma_start3A_614 = arith.constant 0 : i32
        %dma_start3A_615 = tpu.memref_slice %arg2[%dma_start3A_613, %dma_start3A_614] : memref<100000x128xf32, #tpu.memory_space<hbm>> -> memref<32x128xf32, #tpu.memory_space<hbm>>
        %dma_start3A_616 = arith.constant 99968 : i32
        %dma_start3A_617 = arith.constant 0 : i32
        %dma_start3A_618 = tpu.memref_slice %arg2[%dma_start3A_616, %dma_start3A_617] : memref<100000x128xf32, #tpu.memory_space<hbm>> -> memref<32x128xf32, #tpu.memory_space<hbm>>
        tpu.enqueue_dma source(%dma_start3A_618 : memref<32x128xf32, #tpu.memory_space<hbm>>) target(%arg10 : memref<32x128xf32, #tpu.memory_space<vmem>>) target_semaphore(%run_scoped3A : memref<!tpu.dma_semaphore, #tpu.memory_space<semaphore_mem>>)
        %dma_wait3A_619 = arith.constant 99968 : i32
        %dma_wait3A_620 = arith.constant 0 : i32
        %dma_wait3A_621 = tpu.memref_slice %arg2[%dma_wait3A_619, %dma_wait3A_620] : memref<100000x128xf32, #tpu.memory_space<hbm>> -> memref<32x128xf32, #tpu.memory_space<hbm>>
        %dma_wait3A_622 = arith.constant 99968 : i32
        %dma_wait3A_623 = arith.constant 0 : i32
        %dma_wait3A_624 = tpu.memref_slice %arg2[%dma_wait3A_622, %dma_wait3A_623] : memref<100000x128xf32, #tpu.memory_space<hbm>> -> memref<32x128xf32, #tpu.memory_space<hbm>>
        tpu.wait_dma2 semaphore(%run_scoped3A : memref<!tpu.dma_semaphore, #tpu.memory_space<semaphore_mem>>) src(%dma_wait3A_624 : memref<32x128xf32, #tpu.memory_space<hbm>>) dst(%arg10 : memref<32x128xf32, #tpu.memory_space<vmem>>)
        tpu.yield
      }) : () -> ()
      "tpu.region"() ({
        %run_scoped3A = tpu.sem_alloc : memref<!tpu.dma_semaphore, #tpu.memory_space<semaphore_mem>>
        %dma_start3A_613 = arith.constant 0 : i32
        %dma_start3A_614 = arith.constant 0 : i32
        %dma_start3A_615 = tpu.memref_slice %arg17[%dma_start3A_613, %dma_start3A_614] : memref<1024x128xf32, #tpu.memory_space<vmem_shared>> -> memref<1024x128xf32, #tpu.memory_space<vmem_shared>>
        tpu.enqueue_indirect_dma source(%arg10 : memref<32x128xf32, #tpu.memory_space<vmem>>) target(%dma_start3A_615 : memref<1024x128xf32, #tpu.memory_space<vmem_shared>>) offsets(%arg12 : memref<32xi32, #tpu.memory_space<vmem>>) semaphore(%run_scoped3A : memref<!tpu.dma_semaphore, #tpu.memory_space<semaphore_mem>>) {add = true}
        %dma_wait3A_616 = arith.constant 0 : i32
        %dma_wait3A_617 = arith.constant 0 : i32
        %dma_wait3A_618 = tpu.memref_slice %arg17[%dma_wait3A_616, %dma_wait3A_617] : memref<1024x128xf32, #tpu.memory_space<vmem_shared>> -> memref<1024x128xf32, #tpu.memory_space<vmem_shared>>
        tpu.wait_indirect_dma semaphore(%run_scoped3A : memref<!tpu.dma_semaphore, #tpu.memory_space<semaphore_mem>>) src(%arg10 : memref<32x128xf32, #tpu.memory_space<vmem>>) dst(%dma_wait3A_618 : memref<1024x128xf32, #tpu.memory_space<vmem_shared>>)
        tpu.yield
      }) : () -> ()
      "tpu.region"() ({
        %run_scoped3A = tpu.sem_alloc : memref<!tpu.dma_semaphore, #tpu.memory_space<semaphore_mem>>
        %dma_start3A_613 = arith.constant 0 : i32
        %dma_start3A_614 = arith.constant 0 : i32
        %dma_start3A_615 = tpu.memref_slice %arg13[%dma_start3A_613, %dma_start3A_614] : memref<128x16xf32, #tpu.memory_space<vmem>> -> memref<32x16xf32, #tpu.memory_space<vmem>>
        %dma_start3A_616 = arith.constant 0 : i32
        %dma_start3A_617 = arith.constant 0 : i32
        %dma_start3A_618 = tpu.memref_slice %arg18[%dma_start3A_616, %dma_start3A_617] : memref<1024x16xf32, #tpu.memory_space<vmem_shared>> -> memref<1024x16xf32, #tpu.memory_space<vmem_shared>>
        tpu.enqueue_indirect_dma source(%dma_start3A_615 : memref<32x16xf32, #tpu.memory_space<vmem>>) target(%dma_start3A_618 : memref<1024x16xf32, #tpu.memory_space<vmem_shared>>) offsets(%arg12 : memref<32xi32, #tpu.memory_space<vmem>>) semaphore(%run_scoped3A : memref<!tpu.dma_semaphore, #tpu.memory_space<semaphore_mem>>) {add = true}
        %dma_wait3A_619 = arith.constant 0 : i32
        %dma_wait3A_620 = arith.constant 0 : i32
        %dma_wait3A_621 = tpu.memref_slice %arg13[%dma_wait3A_619, %dma_wait3A_620] : memref<128x16xf32, #tpu.memory_space<vmem>> -> memref<32x16xf32, #tpu.memory_space<vmem>>
        %dma_wait3A_622 = arith.constant 0 : i32
        %dma_wait3A_623 = arith.constant 0 : i32
        %dma_wait3A_624 = tpu.memref_slice %arg18[%dma_wait3A_622, %dma_wait3A_623] : memref<1024x16xf32, #tpu.memory_space<vmem_shared>> -> memref<1024x16xf32, #tpu.memory_space<vmem_shared>>
        tpu.wait_indirect_dma semaphore(%run_scoped3A : memref<!tpu.dma_semaphore, #tpu.memory_space<semaphore_mem>>) src(%dma_wait3A_621 : memref<32x16xf32, #tpu.memory_space<vmem>>) dst(%dma_wait3A_624 : memref<1024x16xf32, #tpu.memory_space<vmem_shared>>)
        tpu.yield
      }) : () -> ()
    } else {
    }
    %barrier3A_597 = arith.constant 0 : index
    tpu.barrier barrier_id(%barrier3A_597)
    %mul3A_598 = arith.constant 64 : i32
    %mul3A_599 = arith.muli %arg1, %mul3A_598 : i32
    %mul3A_600 = arith.constant 64 : i32
    %mul3A_601 = arith.muli %arg1, %mul3A_600 : i32
    "tpu.region"() ({
      %run_scoped3A = tpu.sem_alloc : memref<!tpu.dma_semaphore, #tpu.memory_space<semaphore_mem>>
      %dma_start3A_613 = arith.constant 0 : i32
      %dma_start3A_614 = tpu.memref_slice %arg4[%arg0, %mul3A_601, %dma_start3A_613] : memref<2x1024x128xf32, #tpu.memory_space<hbm>> -> memref<1x64x128xf32, #tpu.memory_space<hbm>>
      %dma_start3A_615 = tpu.memref_squeeze %dma_start3A_614 : memref<1x64x128xf32, #tpu.memory_space<hbm>> -> memref<64x128xf32, #tpu.memory_space<hbm>>
      %dma_start3A_616 = arith.constant 0 : i32
      %dma_start3A_617 = tpu.memref_slice %arg17[%mul3A_599, %dma_start3A_616] : memref<1024x128xf32, #tpu.memory_space<vmem_shared>> -> memref<64x128xf32, #tpu.memory_space<vmem_shared>>
      tpu.enqueue_dma source(%dma_start3A_617 : memref<64x128xf32, #tpu.memory_space<vmem_shared>>) target(%dma_start3A_615 : memref<64x128xf32, #tpu.memory_space<hbm>>) target_semaphore(%run_scoped3A : memref<!tpu.dma_semaphore, #tpu.memory_space<semaphore_mem>>)
      %dma_wait3A_618 = arith.constant 0 : i32
      %dma_wait3A_619 = tpu.memref_slice %arg4[%arg0, %mul3A_601, %dma_wait3A_618] : memref<2x1024x128xf32, #tpu.memory_space<hbm>> -> memref<1x64x128xf32, #tpu.memory_space<hbm>>
      %dma_wait3A_620 = tpu.memref_squeeze %dma_wait3A_619 : memref<1x64x128xf32, #tpu.memory_space<hbm>> -> memref<64x128xf32, #tpu.memory_space<hbm>>
      %dma_wait3A_621 = arith.constant 0 : i32
      %dma_wait3A_622 = tpu.memref_slice %arg17[%mul3A_599, %dma_wait3A_621] : memref<1024x128xf32, #tpu.memory_space<vmem_shared>> -> memref<64x128xf32, #tpu.memory_space<vmem_shared>>
      tpu.wait_dma2 semaphore(%run_scoped3A : memref<!tpu.dma_semaphore, #tpu.memory_space<semaphore_mem>>) src(%dma_wait3A_622 : memref<64x128xf32, #tpu.memory_space<vmem_shared>>) dst(%dma_wait3A_620 : memref<64x128xf32, #tpu.memory_space<hbm>>)
      tpu.yield
    }) : () -> ()
    %mul3A_602 = arith.constant 64 : i32
    %mul3A_603 = arith.muli %arg1, %mul3A_602 : i32
    "tpu.region"() ({
      %run_scoped3A = tpu.sem_alloc : memref<!tpu.dma_semaphore, #tpu.memory_space<semaphore_mem>>
      %dma_start3A_613 = arith.constant 0 : i32
      %dma_start3A_614 = tpu.memref_slice %arg18[%mul3A_603, %dma_start3A_613] : memref<1024x16xf32, #tpu.memory_space<vmem_shared>> -> memref<64x16xf32, #tpu.memory_space<vmem_shared>>
      %dma_start3A_615 = arith.constant 0 : i32
      %dma_start3A_616 = tpu.memref_slice %arg18[%mul3A_603, %dma_start3A_615] : memref<1024x16xf32, #tpu.memory_space<vmem_shared>> -> memref<64x16xf32, #tpu.memory_space<vmem_shared>>
      tpu.enqueue_dma source(%dma_start3A_616 : memref<64x16xf32, #tpu.memory_space<vmem_shared>>) target(%arg16 : memref<64x16xf32, #tpu.memory_space<vmem>>) target_semaphore(%run_scoped3A : memref<!tpu.dma_semaphore, #tpu.memory_space<semaphore_mem>>)
      %dma_wait3A_617 = arith.constant 0 : i32
      %dma_wait3A_618 = tpu.memref_slice %arg18[%mul3A_603, %dma_wait3A_617] : memref<1024x16xf32, #tpu.memory_space<vmem_shared>> -> memref<64x16xf32, #tpu.memory_space<vmem_shared>>
      %dma_wait3A_619 = arith.constant 0 : i32
      %dma_wait3A_620 = tpu.memref_slice %arg18[%mul3A_603, %dma_wait3A_619] : memref<1024x16xf32, #tpu.memory_space<vmem_shared>> -> memref<64x16xf32, #tpu.memory_space<vmem_shared>>
      tpu.wait_dma2 semaphore(%run_scoped3A : memref<!tpu.dma_semaphore, #tpu.memory_space<semaphore_mem>>) src(%dma_wait3A_620 : memref<64x16xf32, #tpu.memory_space<vmem_shared>>) dst(%arg16 : memref<64x16xf32, #tpu.memory_space<vmem>>)
      tpu.yield
    }) : () -> ()
    %scan3A_604 = arith.constant 0 : i32
    %scan3A_605 = arith.constant 0 : i32
    %scan3A_606 = arith.constant 64 : i32
    %scan3A_607 = arith.addi %scan3A_605, %scan3A_606 : i32
    %scan3A_608 = arith.constant 1 : i32
    %scan3A_609 = scf.for %scan3A_613 = %scan3A_605 to %scan3A_607 step %scan3A_608 iter_args(%scan3A_614 = %scan3A_604) -> (i32)  : i32 {
      %get3A = arith.index_cast %scan3A_613 : i32 to index
      %get3A_615 = arith.constant 0 : index
      %get3A_616 = tpu.vector_load %arg16[%get3A, %get3A_615] {strides = array<i32>} : memref<64x16xf32, #tpu.memory_space<vmem>>, vector<1x16xf32>,
      %get3A_617 = vector.shape_cast %get3A_616 : vector<1x16xf32> to vector<16xf32>
      %slice3A = vector.extract_strided_slice %get3A_617 {offsets = [0], sizes = [1], strides = [1]} : vector<16xf32> to vector<1xf32>
      %squeeze3A = vector.extract %slice3A[0] : f32 from vector<1xf32>
      %broadcast_in_dim3A = vector.broadcast %squeeze3A : f32 to vector<16xf32>
      %swap3A = arith.index_cast %scan3A_613 : i32 to index
      %swap3A_618 = arith.constant 0 : index
      %swap3A_619 = tpu.vector_load %arg14[%swap3A, %swap3A_618] {strides = array<i32>} : memref<64x128xf32, #tpu.memory_space<vmem>>, vector<1x16xf32>,
      %swap3A_620 = vector.shape_cast %swap3A_619 : vector<1x16xf32> to vector<16xf32>
      %swap3A_621 = vector.shape_cast %broadcast_in_dim3A : vector<16xf32> to vector<1x16xf32>
      tpu.vector_store %arg14[%swap3A, %swap3A_618], %swap3A_621 {strides = array<i32>} : memref<64x128xf32, #tpu.memory_space<vmem>>, vector<1x16xf32>,
      %swap3A_622 = arith.index_cast %scan3A_613 : i32 to index
      %swap3A_623 = arith.constant 16 : index
      %swap3A_624 = tpu.vector_load %arg14[%swap3A_622, %swap3A_623] {strides = array<i32>} : memref<64x128xf32, #tpu.memory_space<vmem>>, vector<1x16xf32>,
      %swap3A_625 = vector.shape_cast %swap3A_624 : vector<1x16xf32> to vector<16xf32>
      %swap3A_626 = vector.shape_cast %broadcast_in_dim3A : vector<16xf32> to vector<1x16xf32>
      tpu.vector_store %arg14[%swap3A_622, %swap3A_623], %swap3A_626 {strides = array<i32>} : memref<64x128xf32, #tpu.memory_space<vmem>>, vector<1x16xf32>,
      %swap3A_627 = arith.index_cast %scan3A_613 : i32 to index
      %swap3A_628 = arith.constant 32 : index
      %swap3A_629 = tpu.vector_load %arg14[%swap3A_627, %swap3A_628] {strides = array<i32>} : memref<64x128xf32, #tpu.memory_space<vmem>>, vector<1x16xf32>,
      %swap3A_630 = vector.shape_cast %swap3A_629 : vector<1x16xf32> to vector<16xf32>
      %swap3A_631 = vector.shape_cast %broadcast_in_dim3A : vector<16xf32> to vector<1x16xf32>
      tpu.vector_store %arg14[%swap3A_627, %swap3A_628], %swap3A_631 {strides = array<i32>} : memref<64x128xf32, #tpu.memory_space<vmem>>, vector<1x16xf32>,
      %swap3A_632 = arith.index_cast %scan3A_613 : i32 to index
      %swap3A_633 = arith.constant 48 : index
      %swap3A_634 = tpu.vector_load %arg14[%swap3A_632, %swap3A_633] {strides = array<i32>} : memref<64x128xf32, #tpu.memory_space<vmem>>, vector<1x16xf32>,
      %swap3A_635 = vector.shape_cast %swap3A_634 : vector<1x16xf32> to vector<16xf32>
      %swap3A_636 = vector.shape_cast %broadcast_in_dim3A : vector<16xf32> to vector<1x16xf32>
      tpu.vector_store %arg14[%swap3A_632, %swap3A_633], %swap3A_636 {strides = array<i32>} : memref<64x128xf32, #tpu.memory_space<vmem>>, vector<1x16xf32>,
      %swap3A_637 = arith.index_cast %scan3A_613 : i32 to index
      %swap3A_638 = arith.constant 64 : index
      %swap3A_639 = tpu.vector_load %arg14[%swap3A_637, %swap3A_638] {strides = array<i32>} : memref<64x128xf32, #tpu.memory_space<vmem>>, vector<1x16xf32>,
      %swap3A_640 = vector.shape_cast %swap3A_639 : vector<1x16xf32> to vector<16xf32>
      %swap3A_641 = vector.shape_cast %broadcast_in_dim3A : vector<16xf32> to vector<1x16xf32>
      tpu.vector_store %arg14[%swap3A_637, %swap3A_638], %swap3A_641 {strides = array<i32>} : memref<64x128xf32, #tpu.memory_space<vmem>>, vector<1x16xf32>,
      %swap3A_642 = arith.index_cast %scan3A_613 : i32 to index
      %swap3A_643 = arith.constant 80 : index
      %swap3A_644 = tpu.vector_load %arg14[%swap3A_642, %swap3A_643] {strides = array<i32>} : memref<64x128xf32, #tpu.memory_space<vmem>>, vector<1x16xf32>,
      %swap3A_645 = vector.shape_cast %swap3A_644 : vector<1x16xf32> to vector<16xf32>
      %swap3A_646 = vector.shape_cast %broadcast_in_dim3A : vector<16xf32> to vector<1x16xf32>
      tpu.vector_store %arg14[%swap3A_642, %swap3A_643], %swap3A_646 {strides = array<i32>} : memref<64x128xf32, #tpu.memory_space<vmem>>, vector<1x16xf32>,
      %swap3A_647 = arith.index_cast %scan3A_613 : i32 to index
      %swap3A_648 = arith.constant 96 : index
      %swap3A_649 = tpu.vector_load %arg14[%swap3A_647, %swap3A_648] {strides = array<i32>} : memref<64x128xf32, #tpu.memory_space<vmem>>, vector<1x16xf32>,
      %swap3A_650 = vector.shape_cast %swap3A_649 : vector<1x16xf32> to vector<16xf32>
      %swap3A_651 = vector.shape_cast %broadcast_in_dim3A : vector<16xf32> to vector<1x16xf32>
      tpu.vector_store %arg14[%swap3A_647, %swap3A_648], %swap3A_651 {strides = array<i32>} : memref<64x128xf32, #tpu.memory_space<vmem>>, vector<1x16xf32>,
      %swap3A_652 = arith.index_cast %scan3A_613 : i32 to index
      %swap3A_653 = arith.constant 112 : index
      %swap3A_654 = tpu.vector_load %arg14[%swap3A_652, %swap3A_653] {strides = array<i32>} : memref<64x128xf32, #tpu.memory_space<vmem>>, vector<1x16xf32>,
      %swap3A_655 = vector.shape_cast %swap3A_654 : vector<1x16xf32> to vector<16xf32>
      %swap3A_656 = vector.shape_cast %broadcast_in_dim3A : vector<16xf32> to vector<1x16xf32>
      tpu.vector_store %arg14[%swap3A_652, %swap3A_653], %swap3A_656 {strides = array<i32>} : memref<64x128xf32, #tpu.memory_space<vmem>>, vector<1x16xf32>,
      %scan3A_657 = arith.constant 0 : i32
      scf.yield %scan3A_657 : i32
    }
    %scan3A_610 = arith.constant 64 : i32
    %mul3A_611 = arith.constant 64 : i32
    %mul3A_612 = arith.muli %arg1, %mul3A_611 : i32
    "tpu.region"() ({
      %run_scoped3A = tpu.sem_alloc : memref<!tpu.dma_semaphore, #tpu.memory_space<semaphore_mem>>
      %dma_start3A_613 = arith.constant 0 : i32
      %dma_start3A_614 = tpu.memref_slice %arg5[%arg0, %mul3A_612, %dma_start3A_613] : memref<2x1024x128xf32, #tpu.memory_space<hbm>> -> memref<1x64x128xf32, #tpu.memory_space<hbm>>
      %dma_start3A_615 = tpu.memref_squeeze %dma_start3A_614 : memref<1x64x128xf32, #tpu.memory_space<hbm>> -> memref<64x128xf32, #tpu.memory_space<hbm>>
      %dma_start3A_616 = arith.constant 0 : i32
      %dma_start3A_617 = tpu.memref_slice %arg5[%arg0, %mul3A_612, %dma_start3A_616] : memref<2x1024x128xf32, #tpu.memory_space<hbm>> -> memref<1x64x128xf32, #tpu.memory_space<hbm>>
      %dma_start3A_618 = tpu.memref_squeeze %dma_start3A_617 : memref<1x64x128xf32, #tpu.memory_space<hbm>> -> memref<64x128xf32, #tpu.memory_space<hbm>>
      tpu.enqueue_dma source(%arg14 : memref<64x128xf32, #tpu.memory_space<vmem>>) target(%dma_start3A_618 : memref<64x128xf32, #tpu.memory_space<hbm>>) target_semaphore(%run_scoped3A : memref<!tpu.dma_semaphore, #tpu.memory_space<semaphore_mem>>)
      %dma_wait3A_619 = arith.constant 0 : i32
      %dma_wait3A_620 = tpu.memref_slice %arg5[%arg0, %mul3A_612, %dma_wait3A_619] : memref<2x1024x128xf32, #tpu.memory_space<hbm>> -> memref<1x64x128xf32, #tpu.memory_space<hbm>>
      %dma_wait3A_621 = tpu.memref_squeeze %dma_wait3A_620 : memref<1x64x128xf32, #tpu.memory_space<hbm>> -> memref<64x128xf32, #tpu.memory_space<hbm>>
      %dma_wait3A_622 = arith.constant 0 : i32
      %dma_wait3A_623 = tpu.memref_slice %arg5[%arg0, %mul3A_612, %dma_wait3A_622] : memref<2x1024x128xf32, #tpu.memory_space<hbm>> -> memref<1x64x128xf32, #tpu.memory_space<hbm>>
      %dma_wait3A_624 = tpu.memref_squeeze %dma_wait3A_623 : memref<1x64x128xf32, #tpu.memory_space<hbm>> -> memref<64x128xf32, #tpu.memory_space<hbm>>
      tpu.wait_dma2 semaphore(%run_scoped3A : memref<!tpu.dma_semaphore, #tpu.memory_space<semaphore_mem>>) src(%arg14 : memref<64x128xf32, #tpu.memory_space<vmem>>) dst(%dma_wait3A_624 : memref<64x128xf32, #tpu.memory_space<hbm>>)
      tpu.yield
    }) : () -> ()
    return
  }
}

module attributes {stable_mosaic.version = 14 : i64} {
  func.func @_mlp_body(%arg0: memref<2x1024x128xf32, #tpu.memory_space<vmem>>, %arg1: memref<2x1024x128xf32, #tpu.memory_space<vmem>>, %arg2: memref<128x128xf32, #tpu.memory_space<vmem>>, %arg3: memref<1x128xf32, #tpu.memory_space<vmem>>, %arg4: memref<128x64xf32, #tpu.memory_space<vmem>>, %arg5: memref<1x64xf32, #tpu.memory_space<vmem>>, %arg6: memref<1x64xf32, #tpu.memory_space<vmem>>, %arg7: memref<1x1xf32, #tpu.memory_space<vmem>>, %arg8: memref<1024xf32, #tpu.memory_space<vmem>>) attributes {dimension_semantics = [], scalar_prefetch = 0 : i64, scratch_operands = 0 : i64, tpu.core_type = #tpu.core_type<tc>} {
    %get3A = arith.constant 0 : index
    %get3A_0 = arith.constant 0 : index
    %get3A_1 = arith.constant 0 : index
    %get3A_2 = vector.load %arg0[%get3A, %get3A_0, %get3A_1] : memref<2x1024x128xf32, #tpu.memory_space<vmem>>, vector<1x1024x128xf32>
    %get3A_3 = vector.shape_cast %get3A_2 : vector<1x1024x128xf32> to vector<1024x128xf32>
    %get3A_4 = arith.constant 1 : index
    %get3A_5 = arith.constant 0 : index
    %get3A_6 = arith.constant 0 : index
    %get3A_7 = vector.load %arg0[%get3A_4, %get3A_5, %get3A_6] : memref<2x1024x128xf32, #tpu.memory_space<vmem>>, vector<1x1024x128xf32>
    %get3A_8 = vector.shape_cast %get3A_7 : vector<1x1024x128xf32> to vector<1024x128xf32>
    %add3A = arith.addf %get3A_3, %get3A_8 : vector<1024x128xf32>
    %get3A_9 = arith.constant 0 : index
    %get3A_10 = arith.constant 0 : index
    %get3A_11 = arith.constant 0 : index
    %get3A_12 = vector.load %arg1[%get3A_9, %get3A_10, %get3A_11] : memref<2x1024x128xf32, #tpu.memory_space<vmem>>, vector<1x1024x128xf32>
    %get3A_13 = vector.shape_cast %get3A_12 : vector<1x1024x128xf32> to vector<1024x128xf32>
    %get3A_14 = arith.constant 1 : index
    %get3A_15 = arith.constant 0 : index
    %get3A_16 = arith.constant 0 : index
    %get3A_17 = vector.load %arg1[%get3A_14, %get3A_15, %get3A_16] : memref<2x1024x128xf32, #tpu.memory_space<vmem>>, vector<1x1024x128xf32>
    %get3A_18 = vector.shape_cast %get3A_17 : vector<1x1024x128xf32> to vector<1024x128xf32>
    %add3A_19 = arith.addf %get3A_13, %get3A_18 : vector<1024x128xf32>
    %div3A = arith.divf %add3A, %add3A_19 : vector<1024x128xf32>
    %get3A_20 = arith.constant 0 : index
    %get3A_21 = arith.constant 0 : index
    %get3A_22 = vector.load %arg2[%get3A_20, %get3A_21] : memref<128x128xf32, #tpu.memory_space<vmem>>, vector<128x128xf32>
    %dot_general3A = arith.constant dense<0.000000e+00> : vector<1024x128xf32>
    %dot_general3A_23 = tpu.matmul %div3A, %get3A_22, %dot_general3A {dimension_numbers = #tpu.dot_dimension_numbers<[1], [0], [0], [1], [0, 0, 1, 1], [], []>, transpose_lhs_hint = false} : vector<1024x128xf32>, vector<128x128xf32>, vector<1024x128xf32> -> vector<1024x128xf32>
    %get3A_24 = arith.constant 0 : index
    %get3A_25 = arith.constant 0 : index
    %get3A_26 = vector.load %arg3[%get3A_24, %get3A_25] : memref<1x128xf32, #tpu.memory_space<vmem>>, vector<1x128xf32>
    %add3A_27 = vector.broadcast %get3A_26 : vector<1x128xf32> to vector<1024x128xf32>
    %add3A_28 = arith.addf %dot_general3A_23, %add3A_27 : vector<1024x128xf32>
    %neg3A = arith.constant 0.000000e+00 : f32
    %neg3A_29 = vector.broadcast %neg3A : f32 to vector<1024x128xf32>
    %neg3A_30 = arith.subf %neg3A_29, %add3A_28 : vector<1024x128xf32>
    %exp3A = math.exp %neg3A_30 : vector<1024x128xf32>
    %add3A_31 = arith.constant 1.000000e+00 : f32
    %add3A_32 = vector.broadcast %add3A_31 : f32 to vector<1024x128xf32>
    %add3A_33 = arith.addf %add3A_32, %exp3A : vector<1024x128xf32>
    %div3A_34 = arith.constant 1.000000e+00 : f32
    %div3A_35 = vector.broadcast %div3A_34 : f32 to vector<1024x128xf32>
    %div3A_36 = arith.divf %div3A_35, %add3A_33 : vector<1024x128xf32>
    %mul3A = arith.mulf %add3A_28, %div3A_36 : vector<1024x128xf32>
    %get3A_37 = arith.constant 0 : index
    %get3A_38 = arith.constant 0 : index
    %get3A_39 = vector.load %arg4[%get3A_37, %get3A_38] : memref<128x64xf32, #tpu.memory_space<vmem>>, vector<128x64xf32>
    %dot_general3A_40 = arith.constant dense<0.000000e+00> : vector<1024x64xf32>
    %dot_general3A_41 = tpu.matmul %mul3A, %get3A_39, %dot_general3A_40 {dimension_numbers = #tpu.dot_dimension_numbers<[1], [0], [0], [1], [0, 0, 1, 1], [], []>, transpose_lhs_hint = false} : vector<1024x128xf32>, vector<128x64xf32>, vector<1024x64xf32> -> vector<1024x64xf32>
    %get3A_42 = arith.constant 0 : index
    %get3A_43 = arith.constant 0 : index
    %get3A_44 = vector.load %arg5[%get3A_42, %get3A_43] : memref<1x64xf32, #tpu.memory_space<vmem>>, vector<1x64xf32>
    %add3A_45 = vector.broadcast %get3A_44 : vector<1x64xf32> to vector<1024x64xf32>
    %add3A_46 = arith.addf %dot_general3A_41, %add3A_45 : vector<1024x64xf32>
    %neg3A_47 = arith.constant 0.000000e+00 : f32
    %neg3A_48 = vector.broadcast %neg3A_47 : f32 to vector<1024x64xf32>
    %neg3A_49 = arith.subf %neg3A_48, %add3A_46 : vector<1024x64xf32>
    %exp3A_50 = math.exp %neg3A_49 : vector<1024x64xf32>
    %add3A_51 = arith.constant 1.000000e+00 : f32
    %add3A_52 = vector.broadcast %add3A_51 : f32 to vector<1024x64xf32>
    %add3A_53 = arith.addf %add3A_52, %exp3A_50 : vector<1024x64xf32>
    %div3A_54 = arith.constant 1.000000e+00 : f32
    %div3A_55 = vector.broadcast %div3A_54 : f32 to vector<1024x64xf32>
    %div3A_56 = arith.divf %div3A_55, %add3A_53 : vector<1024x64xf32>
    %mul3A_57 = arith.mulf %add3A_46, %div3A_56 : vector<1024x64xf32>
    %get3A_58 = arith.constant 0 : index
    %get3A_59 = arith.constant 0 : index
    %get3A_60 = vector.load %arg6[%get3A_58, %get3A_59] : memref<1x64xf32, #tpu.memory_space<vmem>>, vector<1x64xf32>
    %mul3A_61 = vector.broadcast %get3A_60 : vector<1x64xf32> to vector<1024x64xf32>
    %mul3A_62 = arith.mulf %mul3A_57, %mul3A_61 : vector<1024x64xf32>
    %reduce_sum3A = arith.constant dense<0.000000e+00> : vector<1024xf32>
    %reduce_sum3A_63 = vector.multi_reduction <add>, %mul3A_62, %reduce_sum3A [1] : vector<1024x64xf32> to vector<1024xf32>
    %get3A_64 = arith.constant 0 : index
    %get3A_65 = arith.constant 0 : index
    %get3A_66 = vector.load %arg7[%get3A_64, %get3A_65] : memref<1x1xf32, #tpu.memory_space<vmem>>, vector<1x1xf32>
    %get3A_67 = vector.extract %get3A_66[0, 0] : f32 from vector<1x1xf32>
    %add3A_68 = vector.broadcast %get3A_67 : f32 to vector<1024xf32>
    %add3A_69 = arith.addf %reduce_sum3A_63, %add3A_68 : vector<1024xf32>
    %swap3A = arith.constant 0 : index
    %swap3A_70 = vector.load %arg8[%swap3A] : memref<1024xf32, #tpu.memory_space<vmem>>, vector<1024xf32>
    tpu.vector_store %arg8[%swap3A], %add3A_69 {strides = array<i32>} : memref<1024xf32, #tpu.memory_space<vmem>>, vector<1024xf32>,
    return
  }
}

</mosaic_0001>

<sc_bundles>
// kernel: kernel.4.cloned.1.call-start
scs
__scs_entry_jumppad:
0x0: {  	(pc) =	sbr.rel $0x88, $3  }
0x1: {  	(tag) =	ssettag $0x0;
	lr =	simm.s32 $0x1  }
0x2: {  	[smem:$0x3F99] =	sst lr;
	_ =	strace $0xD0000000  }
0x3: {  	_ = 	snop  }
0x4: {  	_ = 	snop  }
0x5: {  	_ = 	snop  }
0x6: {  	_ = 	snop  }
0x7: {  	_ = 	snop  }
__scs_overlays_trampoline_lowered:
0x8: {  	[smem:$0x3FA8] =	sst s0  }
0x9: {  	[smem:$0x3FA9] =	sst s1  }
0xa: {  	[smem:$0x3FAA] =	sst s2  }
0xb: {  	[smem:$0x3FAB] =	sst s3  }
0xc: {  	[smem:$0x3FAC] =	sst s4  }
0xd: {  	[smem:$0x3FAD] =	sst s5  }
0xe: {  	[smem:$0x3FAE] =	sst s6  }
0xf: {  	[smem:$0x3FAF] =	sst s7  }
0x10: {  	[smem:$0x3FB0] =	sst s8  }
0x11: {  	[smem:$0x3FB1] =	sst s9;
	s0 =	simm.s32 @!p0 $0x0  }
0x12: {  	s1 =	sld [smem:$0x3F97];
	s0 =	simm.s32 @p0 $0x1  }
0x13: {  	[smem:$0x3FB2] =	sst s0;
	s0 =	simm.s32 @!p1 $0x0  }
0x14: {  	s2 =	sld [smem:$0x3F96];
	s0 =	simm.s32 @p1 $0x1  }
0x15: {  	[smem:$0x3FB3] =	sst s0;
	s0 =	simm.s32 @!p2 $0x0  }
0x16: {  	s3 =	sld [smem:$0x3FDB];
	s0 =	simm.s32 @p2 $0x1  }
0x17: {  	s4 =	simm.s32 $0x1BF5;
	[smem:$0x3FB5] =	sst s0  }
0x18: {  	s0 =	sld [smem:$0x3F98];
	_ =	swait.ge [sflag:s4], $0x0  }
0x19: {  	s7 =	sld [smem:$0x3F99]  }
0x1a: {  	s8 =	sadd.s32 $0xFFFFE003, lr  }
0x1b: {  	s9 =	sadd.s32 $0xFFFFFEF7, lr;
	s5 =	simm.s32 $0xFFFFFFFF;
	p2 =	slt.u32 s8, $0xFFFFF086  }
0x1c: {  	p1 =	slt.u32 s9, $0xF7A;
	s5 =	simm.s32 @!p2 $0x0  }
0x1d: {  	s5 =	simm.s32 @p1 $0x1;
	p0 =	seq.s32 s7, s2  }
0x1e: {  	s7 =	smul.u32 @!p0 $0xF7A, s2;
	p2 =	seq.s32 @!p0 s5, $0x0  }
0x1f: {  	s9 =	smul.u32 $0xF7A, s1;
	s8 =	simm.s32 @!p0 $0x1BF5;
	p2 =	por !p2, p0  }
0x20: {  	[sflag:s8] =	ssyncset.s32 @!p0 $0xFFFFF086;
	s6 =	sadd.s32 @!p0 s3, s7;
	s7 =	simm.s32 @!p0 $0x108  }
0x21: {  	s3 =	sadd.s32 s3, s9;
	s6 =	sadd.s32 @!p0 $0x88, s6;
	s7 =	simm.s32 @p2 $0x1082  }
0x22: {  	[simem:s7], [sflag:s8] =	dma.local @!p0 [hbm:s6], $0xF7A  }
0x23: {  	s9 =	sor.u32 $0xD0000000, s2;
	s6 =	simm.s32 $0x108;
	_ =	swait.ge @!p0 [sflag:s8], $0x0  }
0x24: {  	s3 =	sadd.s32 $0x88, s3;
	s6 =	simm.s32 @!p1 $0x1082;
	[sflag:s4] =	ssyncset.s32 $0xFFFFF086  }
0x25: {  	[simem:s6], [sflag:s4] =	dma.local [hbm:s3], $0xF7A  }
0x26: {  	[smem:$0x3F99] =	sst s1;
	(tag) =	ssettag s2;
	_ =	strace s9  }
0x27: {  	s1 =	sld [smem:$0x3FA9]  }
0x28: {  	s2 =	sld [smem:$0x3FAA]  }
0x29: {  	s4 =	sld [smem:$0x3FAC]  }
0x2a: {  	p0 =	seq.s32 s5, $0x0;
	s5 =	sld [smem:$0x3FAD]  }
0x2b: {  	s6 =	sld [smem:$0x3FAE]  }
0x2c: {  	s7 =	sld [smem:$0x3FAF]  }
0x2d: {  	s3 =	simm.s32 $0x108;
	s8 =	sld [smem:$0x3FB0]  }
0x2e: {  	s3 =	simm.s32 @!p0 $0x1082;
	s9 =	sld [smem:$0x3FB1]  }
0x2f: {  	lr =	sadd.s32 s0, s3;
	s0 =	sld [smem:$0x3FA8]  }
0x30: {  	s3 =	sld [smem:$0x3FAB]  }
0x31: {  	[smem:$0x3FB4] =	sst s10  }
0x32: {  	s10 =	sld [smem:$0x3FB2];
	_ =	sdelay $0x3  }
0x33: {  	p0 =	seq.s32 s10, $0x1;
	s10 =	sld [smem:$0x3FB4];
	_ =	sdelay $0x3  }
0x34: {  	[smem:$0x3FB4] =	sst s10  }
0x35: {  	s10 =	sld [smem:$0x3FB3];
	_ =	sdelay $0x3  }
0x36: {  	p1 =	seq.s32 s10, $0x1;
	s10 =	sld [smem:$0x3FB4];
	_ =	sdelay $0x3  }
0x37: {  	[smem:$0x3FB4] =	sst s10  }
0x38: {  	s10 =	sld [smem:$0x3FB5]  }
0x39: {  	_ = 	snop;
	(pc) =	sbr.ind lr, $3  }
0x3a: {  	_ = 	snop  }
0x3b: {  	_ = 	snop  }
0x3c: {  	p2 =	seq.s32 s10, $0x1;
	s10 =	sld [smem:$0x3FB4]  }
0x3d: {  	_ =	shalt  }
0x3e: {  	_ =	shalt  }
0x3f: {  	_ =	shalt  }
0x40: {  	_ =	shalt  }
0x41: {  	_ =	shalt  }
0x42: {  	_ =	shalt  }
0x43: {  	_ =	shalt  }
0x44: {  	_ =	shalt  }
0x45: {  	_ =	shalt  }
0x46: {  	_ =	shalt  }
0x47: {  	_ =	shalt  }
0x48: {  	_ =	shalt  }
0x49: {  	_ =	shalt  }
0x4a: {  	_ =	shalt  }
0x4b: {  	_ =	shalt  }
0x4c: {  	_ =	shalt  }
0x4d: {  	_ =	shalt  }
0x4e: {  	_ =	shalt  }
0x4f: {  	_ =	shalt  }
0x50: {  	_ =	shalt  }
0x51: {  	_ =	shalt  }
0x52: {  	_ =	shalt  }
0x53: {  	_ =	shalt  }
0x54: {  	_ =	shalt  }
0x55: {  	_ =	shalt  }
0x56: {  	_ =	shalt  }
0x57: {  	_ =	shalt  }
0x58: {  	_ =	shalt  }
0x59: {  	_ =	shalt  }
0x5a: {  	_ =	shalt  }
0x5b: {  	_ =	shalt  }
0x5c: {  	_ =	shalt  }
0x5d: {  	_ =	shalt  }
0x5e: {  	_ =	shalt  }
0x5f: {  	_ =	shalt  }
0x60: {  	_ =	shalt  }
0x61: {  	_ =	shalt  }
0x62: {  	_ =	shalt  }
0x63: {  	_ =	shalt  }
0x64: {  	_ =	shalt  }
0x65: {  	_ =	shalt  }
0x66: {  	_ =	shalt  }
0x67: {  	_ =	shalt  }
0x68: {  	_ =	shalt  }
0x69: {  	_ =	shalt  }
0x6a: {  	_ =	shalt  }
0x6b: {  	_ =	shalt  }
0x6c: {  	_ =	shalt  }
0x6d: {  	_ =	shalt  }
0x6e: {  	_ =	shalt  }
0x6f: {  	_ =	shalt  }
0x70: {  	_ =	shalt  }
0x71: {  	_ =	shalt  }
0x72: {  	_ =	shalt  }
0x73: {  	_ =	shalt  }
0x74: {  	_ =	shalt  }
0x75: {  	_ =	shalt  }
0x76: {  	_ =	shalt  }
0x77: {  	_ =	shalt  }
0x78: {  	_ =	shalt  }
0x79: {  	_ =	shalt  }
0x7a: {  	_ =	shalt  }
0x7b: {  	_ =	shalt  }
0x7c: {  	_ =	shalt  }
0x7d: {  	_ =	shalt  }
0x7e: {  	_ =	shalt  }
0x7f: {  	_ =	shalt  }
0x80: {  	_ =	shalt  }
0x81: {  	_ =	shalt  }
0x82: {  	_ =	shalt  }
0x83: {  	_ =	shalt  }
0x84: {  	_ =	shalt  }
0x85: {  	_ =	shalt  }
0x86: {  	_ =	shalt  }
0x87: {  	_ =	shalt  }
.Lfunc_end0:
.L_simem_size_0:
called_computation_lowered:
.L_overlay_start_0:
0x88: {  	s2 =	sld [smem:$0x3FD9]  }
0x89: {  	s3 =	sld [smem:$0x3FFE];
	_ =	sdelay $0x1  }
0x8a: {  	s1 =	srdreg.scid  }
0x8b: {  	s0 =	sand.u32 $0x1, s1  }
0x8c: {  	s17 =	sshll.u32 s0, $0xA;
	s2 =	sadd.s32 s3, s2  }
0x8d: {  	s2 =	sadd.s32 s2, s17  }
0x8e: {  	[smem:$0x3FC0] =	sst s2  }
0x8f: {  	_ = 	snop  }
0x90: {  	s2 =	sld [smem:$0x3FC9]  }
0x91: {  	s18 =	sld [smem:$0x3FC8];
	(tm) =	ssettm $0x1  }
0x92: {  	s4 =	sld [smem:$0x3FFB];
	_ =	sdelay $0x3  }
0x93: {  	_ =	strace s4  }
0x94: {  	s4 =	sld [smem:$0x3FFC];
	_ =	sdelay $0x3  }
0x95: {  	_ =	strace s4  }
0x96: {  	s4 =	sld [smem:$0x3FFD];
	_ =	sdelay $0x3  }
0x97: {  	_ =	strace s4  }
0x98: {  	_ =	strace $0x8FFFFFFF  }
0x99: {  	s19 =	sld [smem:$0x3FDB];
	_ =	sdelay $0x1  }
0x9a: {  	s5 =	simm.s32 $_scs_section_size  }
0x9b: {  	s6 =	simm.s32 $_size__tile_overlayer_lowered;
	s7 =	simm.s32 $_tile_overlayer_lowered  }
0x9c: {  	s22 =	simm.s32 $0x1BFF;
	s21 =	sshll.u32 s7, $0x1;
	s4 =	sadd.s32 s5, s19  }
0x9d: {  	s8 =	simm.s32 $0x0;
	s20 =	sshll.u32 s6, $0x1;
	s6 =	sadd.s32 s21, s4  }
0x9e: {  	[timem:s8], [sflag:s22] =	dma.local [hbm:s6], s20  }
0x9f: {  	_ =	swait.ge [sflag:s22], s20  }
0xa0: {  	s5 =	ssub.s32 $0x0, s20;
	[sflag:s22] =	ssyncset.done $0x0  }
0xa1: {  	[sflag:s22] =	ssyncadd.s32 s5;
	_ =	sdelay $0x1  }
0xa2: {  	s23 =	simm.s32 $0x1B8B  }
0xa3: {  	_ =	swait.ge [sflag:s23], $0x1  }
0xa4: {  	[sflag:s23] =	ssyncset.done $0x0  }
0xa5: {  	s25 =	simm.s32 $0x1B8E;
	s24 =	sld [smem:$0x3FFE];
	[sflag:s23] =	ssyncadd.s32 $0xFFFFFFFF  }
0xa6: {  	s26 =	simm.s32 $execute0_lowered;
	[smem:$0x3FD2] =	sst s25  }
0xa7: {  	s6 =	sshll.u32 s26, $0x1;
	_ =	strace $0x80000046;
	[dreg:$0x1] =	wrdreg $0xFFFFFFFF  }
0xa8: {  	s28 =	simm.s32 $_size_execute0_lowered;
	s4 =	sadd.s32 s4, s6;
	[dreg:$0x0] =	wrdreg $0x0  }
0xa9: {  	s6 =	sshll.u32 s28, $0x1;
	[dreg:$0x2] =	wrdreg s4  }
0xaa: {  	[dreg:$0x3] =	wrdreg s6  }
0xab: {  	[dreg:$0x4] =	wrdreg $0xC0  }
0xac: {  	_ =	task [dreg:s8], $0x5FFFF  }
0xad: {  	[dreg:$0x1] =	wrdreg $0xFFFFFFFF  }
0xae: {  	[dreg:$0x0] =	wrdreg $0x60  }
0xaf: {  	[dreg:$0x2] =	wrdreg s2  }
0xb0: {  	[dreg:$0x3] =	wrdreg s18  }
0xb1: {  	[dreg:$0x4] =	wrdreg s24  }
0xb2: {  	[dreg:$0x5] =	wrdreg $0x14CA00  }
0xb3: {  	[dreg:$0x6] =	wrdreg $0x16CA00  }
0xb4: {  	[dreg:$0x7] =	wrdreg $0x9  }
0xb5: {  	_ =	task.clear_ibuf [dreg:s8], $0x8FFFF;
	_ =	strace $0x90000046  }
0xb6: {  	s29 =	simm.s32 $0x9;
	_ =	strace $0x80000048  }
0xb7: {  	_ =	swait.ge [sflag:s29], $0x1  }
0xb8: {  	[sflag:s29] =	ssyncadd.s32 $0xFFFFFFFF  }
0xb9: {  	_ =	strace $0x90000048  }
0xba: {  	_ =	sfence  }
0xbb: {  	s30 =	sld [smem:$0x0];
	_ =	sdelay $0x2  }
0xbc: {  	s31 =	sshll.u32 s1, $0xD;
	s1 =	sshrl.u32 s1, $0x2  }
0xbd: {  	s3 =	sand.u32 $0x4000, s31;
	s1 =	sadd.s32 s1, s30  }
0xbe: {  	s0 =	sor.u32 s3, s0;
	s1 =	sshll.u32 s1, $0x11  }
0xbf: {  	s0 =	sor.u32 s1, s0  }
0xc0: {  	s0 =	sadd.s32 $0x8F2B, s0  }
0xc1: {  	[sflag:s0] =	ssyncadd.remote.s32 $0x1  }
0xc2: {  	_ =	sfence.sel $0xFFFF  }
0xc3: {  	[dreg:$0x0] =	wrdreg $0xFFFFFFFF;
	(pc) =	sbr.abs _section_cstart, $3  }
0xc4: {  	[dreg:$0x1] =	wrdreg $0xFFFFFFFF  }
0xc5: {  	_ =	task.clear_ibuf [dreg:s8], $0x2FFFF;
	_ =	strace $0x9FFFFFFF  }
0xc6: {  	(tm) =	ssettm $0x7FFFFFFF  }
0xc7: {  	_ =	shalt  }
tec
execute0_lowered:
.L_overlay_start_1:
0x0: {  	(tag) =	ssettag $0x1  }
0x1: {  	s0 =	rddreg [dreg:$0x0]  }
0x2: {  	s3 =	rddreg [dreg:$0x1]  }
0x3: {  	s6 =	srdreg.scid;
	s18 =	stileid.u32  }
0x4: {  	s5 =	rddreg [dreg:$0x2];
	s6 =	sand.u32 $0x1, s6;
	s7 =	sshll.u32 s18, $0x1  }
0x5: {  	s1 =	rddreg [dreg:$0x3];
	s7 =	sor.u32 s6, s7  }
0x6: {  	s2 =	rddreg [dreg:$0x4];
	s11 =	smul.u32 $0x18, s7  }
0x7: {  	s4 =	simm.s32 $0x0;
	s10 =	ssub.s32 $0x2, s6;
	s13 =	smin.u32 s7, $0xD  }
0x8: {  	[smem:$0x7FF] =	sst s4;
	s12 =	sshrl.u32 s10, $0x1;
	s11 =	sadd.s32 s13, s11  }
0x9: {  	_ =	strace $0x80000047;
	s10 =	ssub.s32 s10, s12;
	s25 =	sshll.u32 s11, $0x7  }
0xa: {  	s15 =	sshll.u32 s11, $0x4;
	s11 =	sshll.u32 s11, $0xB;
	s14 =	sadd.s32 $0x80, s25  }
0xb: {  	s16 =	sadd.s32 $0x100, s25;
	s15 =	sadd.s32 s3, s15;
	s12 =	sshrl.u32 s25, $0x3  }
0xc: {  	s11 =	sadd.s32 s0, s11;
	[dreg:$0x6] =	wrdreg s15;
	s26 =	sshrl.u32 s14, $0x3  }
0xd: {  	s17 =	sshrl.u32 s16, $0x3;
	[dreg:$0x1f] =	wrdreg s11;
	s15 =	sadd.s32 s3, s26  }
0xe: {  	s12 =	sadd.s32 s3, s12;
	s17 =	sadd.s32 s3, s17;
	[dreg:$0x7] =	wrdreg s15  }
0xf: {  	s29 =	sadd.s32 $0x30, s12;
	[dreg:$0x8] =	wrdreg s17  }
0x10: {  	s30 =	sadd.s32 $0x40, s12;
	[dreg:$0x9] =	wrdreg s29  }
0x11: {  	s31 =	sadd.s32 $0x50, s12;
	[dreg:$0xa] =	wrdreg s30  }
0x12: {  	s19 =	sadd.s32 $0x60, s12;
	[dreg:$0xb] =	wrdreg s31  }
0x13: {  	s20 =	sadd.s32 $0x70, s12;
	[dreg:$0xc] =	wrdreg s19  }
0x14: {  	s21 =	sadd.s32 $0x80, s12;
	[dreg:$0xd] =	wrdreg s20  }
0x15: {  	s8 =	sshll.u32 s18, $0xD;
	s22 =	sadd.s32 $0x90, s12;
	[dreg:$0xe] =	wrdreg s21  }
0x16: {  	s28 =	smul.u32 $0x30, s18;
	s23 =	sadd.s32 $0xA0, s12;
	[dreg:$0xf] =	wrdreg s22  }
0x17: {  	s9 =	sshll.u32 s6, $0x11;
	s24 =	sadd.s32 $0xB0, s12;
	[dreg:$0x10] =	wrdreg s23  }
0x18: {  	s6 =	smul.u32 $0x18, s6;
	s25 =	sadd.s32 $0xC0, s12;
	[dreg:$0x11] =	wrdreg s24  }
0x19: {  	s9 =	sor.u32 s8, s9;
	s26 =	sadd.s32 $0xD0, s12;
	[dreg:$0x12] =	wrdreg s25  }
0x1a: {  	s6 =	sadd.s32 s6, s28;
	s28 =	sadd.s32 $0xE0, s12;
	[dreg:$0x13] =	wrdreg s26  }
0x1b: {  	s6 =	sadd.s32 s13, s6;
	s13 =	sadd.s32 $0x120, s12;
	[dreg:$0x14] =	wrdreg s28  }
0x1c: {  	p0 =	slt.u32 s7, $0xD;
	s3 =	sadd.s32 $0x30D0, s3;
	[dreg:$0x18] =	wrdreg s13  }
0x1d: {  	s9 =	sshrl.u32 s9, $0x3;
	s29 =	sadd.s32 $0xF0, s12;
	[smem:$0x7F9] =	sst s3  }
0x1e: {  	s9 =	sadd.s32 s9, s5;
	s30 =	sadd.s32 $0x100, s12;
	[dreg:$0x15] =	wrdreg s29  }
0x1f: {  	s5 =	simm.s32 $0x19;
	s31 =	sadd.s32 $0x110, s12;
	[dreg:$0x16] =	wrdreg s30  }
0x20: {  	s5 =	simm.s32 @!p0 $0x18;
	s15 =	sadd.s32 $0x130, s12;
	[dreg:$0x17] =	wrdreg s31  }
0x21: {  	p0 =	sne.s32 s7, $0x1F;
	s17 =	sadd.s32 $0x140, s12;
	[dreg:$0x19] =	wrdreg s15  }
0x22: {  	s19 =	sadd.s32 $0x150, s12;
	s20 =	sadd.s32 $0x160, s12;
	[dreg:$0x1a] =	wrdreg s17  }
0x23: {  	s21 =	sadd.s32 $0x170, s12;
	s22 =	sadd.s32 $0x180, s12;
	[dreg:$0x1b] =	wrdreg s19  }
0x24: {  	s23 =	sshll.u32 s14, $0x4;
	s24 =	sshll.u32 s16, $0x4;
	[dreg:$0x1c] =	wrdreg s20  }
0x25: {  	s26 =	sshll.u32 s18, $0xA;
	s28 =	sshll.u32 s6, $0xB;
	[dreg:$0x1d] =	wrdreg s21  }
0x26: {  	[dreg:$0x1e] =	wrdreg s22;
	s7 =	sand.u32 $0x1FFFF800, s23;
	s25 =	sand.u32 $0x1FFFF800, s24  }
0x27: {  	s3 =	sadd.s32 s28, s0;
	s29 =	sadd.s32 $0x1600, s9;
	s30 =	sadd.s32 $0x9600, s9  }
0x28: {  	s31 =	smax.u32 s10, $0x1;
	s10 =	simm.s32 $0x124A0;
	s19 =	simm.s32 $0xB  }
0x29: {  	s20 =	simm.s32 $0x1;
	s21 =	simm.s32 $0xA;
	[smem:$0x7FB] =	sst s29  }
0x2a: {  	s22 =	simm.s32 $0x0;
	s7 =	sadd.s32 s0, s7;
	[smem:$0x7FC] =	sst s30  }
0x2b: {  	[smem:$0x7FD] =	sst s31;
	s14 =	sadd.s32 $0x1800, s3;
	s15 =	sadd.s32 $0x2000, s3  }
0x2c: {  	s16 =	sadd.s32 $0x2800, s3;
	[smem:$0x7F7] =	sst s7;
	s7 =	sadd.s32 s0, s25  }
0x2d: {  	s17 =	sadd.s32 $0x3000, s3;
	s0 =	sadd.s32 $0x186800, s0;
	[smem:$0x7F8] =	sst s7  }
0x2e: {  	v0 =	vimm.f32 $0.0e+00;
	v1 =	vimm.f32 $1.000000000e+00;
	s7 =	sadd.s32 s8, s1;
	s8 =	sadd.s32 s26, s2;
	[smem:$0x7FA] =	sst s0  }
.LBB2_1:
0x2f: {  	s0 =	sand.u32 $0x7E00, s4  }
0x30: {  	s3 =	sand.u32 $0x70, s4;
	s6 =	sshrl.u32 s0, $0x2  }
0x31: {  	s0 =	simm.s32 $0x40;
	s6 =	sor.u32 s3, s6;
	s3 =	simm.s32 $0x0  }
.LBB2_2:
0x32: {  	p1 =	sne.s32 s0, $0x7FC0  }
0x33: {  	[tilespmem:s6+$0x124A0] =	vst v0;
	s3 =	sadd.s32 $0x10, s3;
	s6 =	smov.u32 s0;
	s0 =	sadd.s32 $0x40, s0  }
.Ltmp0:
0x34: {  	(pc) =	sbr.rel @p1 .LBB2_2-.Ltmp0, $4  }
0x35: {  	_ = 	snop  }
0x36: {  	s6 =	sand.u32 $0x7E00, s6  }
0x37: {  	s9 =	sand.u32 $0x70, s3;
	s6 =	sshrl.u32 s6, $0x2  }
0x38: {  	s6 =	sor.u32 s9, s6  }
0x39: {  	[tilespmem:s6+$0x124A0] =	vst v0;
	s0 =	simm.s32 $0x40;
	s3 =	simm.s32 $0x0  }
.LBB2_4:
0x3a: {  	p1 =	sne.s32 s0, $0xFC0;
	[tilespmem:s3+$0x144A0] =	vst v0;
	s3 =	smov.u32 s0;
	s0 =	sadd.s32 $0x40, s0  }
.Ltmp1:
0x3b: {  	(pc) =	sbr.rel @p1 .LBB2_4-.Ltmp1, $2  }
0x3c: {  	_ =	sdelay $0x2  }
0x3d: {  	s3 =	sshra.s32 s3, $0x2  }
0x3e: {  	[tilespmem:s3+$0x144A0] =	vst v0;
	s0 =	simm.s32 $0x40;
	s3 =	simm.s32 $0x0  }
.LBB2_6:
0x3f: {  	p1 =	sne.s32 s0, $0x1FC0;
	[tilespmem:s3+$0x11CA0] =	vst v1;
	s3 =	smov.u32 s0;
	s0 =	sadd.s32 $0x40, s0  }
.Ltmp2:
0x40: {  	(pc) =	sbr.rel @p1 .LBB2_6-.Ltmp2, $2  }
0x41: {  	_ =	sdelay $0x2  }
0x42: {  	s3 =	sshra.s32 s3, $0x2  }
0x43: {  	s6 =	rddreg [dreg:$0x6]  }
0x44: {  	[tilespmem:s3+$0x11CA0] =	vst v1;
	s3 =	simm.s32 $0x0;
	s0 =	simm.s32 $0x11000;
	s18 =	rddreg [dreg:$0x7]  }
0x45: {  	[tilespmem:s0], [sflag:$0x1] =	stream.linear.gather [hbm4b:s6+s3], $0x80, $0x38;
	[tilespmem:$0x170A0] =	vst v63  }
0x46: {  	s9 =	simm.s32 $0x11080;
	s23 =	rddreg [dreg:$0x8]  }
0x47: {  	[tilespmem:s9], [sflag:$0x1] =	stream.linear.gather [hbm4b:s18+s3], $0x80, $0x38;
	[tilespmem:$0x170A0] =	vst v63  }
0x48: {  	s24 =	simm.s32 $0x11100;
	s25 =	rddreg [dreg:$0x9]  }
0x49: {  	[tilespmem:s24], [sflag:$0x1] =	stream.linear.gather [hbm4b:s23+s3], $0x80, $0x38;
	[tilespmem:$0x170A0] =	vst v63  }
0x4a: {  	s26 =	simm.s32 $0x11180;
	s11 =	rddreg [dreg:$0xa]  }
0x4b: {  	[tilespmem:s26], [sflag:$0x1] =	stream.linear.gather [hbm4b:s25+s3], $0x80, $0x38;
	[tilespmem:$0x170A0] =	vst v63  }
0x4c: {  	s12 =	simm.s32 $0x11200;
	s13 =	rddreg [dreg:$0xb]  }
0x4d: {  	[tilespmem:s12], [sflag:$0x1] =	stream.linear.gather [hbm4b:s11+s3], $0x80, $0x38;
	[tilespmem:$0x170A0] =	vst v63  }
0x4e: {  	s18 =	simm.s32 $0x11280;
	s23 =	rddreg [dreg:$0xc]  }
0x4f: {  	[tilespmem:s18], [sflag:$0x1] =	stream.linear.gather [hbm4b:s13+s3], $0x80, $0x38;
	[tilespmem:$0x170A0] =	vst v63  }
0x50: {  	s24 =	simm.s32 $0x11300;
	s25 =	rddreg [dreg:$0xd]  }
0x51: {  	[tilespmem:s24], [sflag:$0x1] =	stream.linear.gather [hbm4b:s23+s3], $0x80, $0x38;
	[tilespmem:$0x170A0] =	vst v63  }
0x52: {  	s26 =	simm.s32 $0x11380;
	s11 =	rddreg [dreg:$0xe]  }
0x53: {  	[tilespmem:s26], [sflag:$0x1] =	stream.linear.gather [hbm4b:s25+s3], $0x80, $0x38;
	[tilespmem:$0x170A0] =	vst v63  }
0x54: {  	s12 =	simm.s32 $0x11400;
	s13 =	rddreg [dreg:$0xf]  }
0x55: {  	[tilespmem:s12], [sflag:$0x1] =	stream.linear.gather [hbm4b:s11+s3], $0x80, $0x38;
	[tilespmem:$0x170A0] =	vst v63  }
0x56: {  	s18 =	simm.s32 $0x11480;
	s23 =	rddreg [dreg:$0x10]  }
0x57: {  	[tilespmem:s18], [sflag:$0x1] =	stream.linear.gather [hbm4b:s13+s3], $0x80, $0x38;
	[tilespmem:$0x170A0] =	vst v63  }
0x58: {  	s24 =	simm.s32 $0x11500;
	s25 =	rddreg [dreg:$0x11]  }
0x59: {  	[tilespmem:s24], [sflag:$0x1] =	stream.linear.gather [hbm4b:s23+s3], $0x80, $0x38;
	[tilespmem:$0x170A0] =	vst v63  }
0x5a: {  	s26 =	simm.s32 $0x11580;
	s11 =	rddreg [dreg:$0x12]  }
0x5b: {  	[tilespmem:s26], [sflag:$0x1] =	stream.linear.gather [hbm4b:s25+s3], $0x80, $0x38;
	[tilespmem:$0x170A0] =	vst v63  }
0x5c: {  	s12 =	simm.s32 $0x11600;
	s13 =	rddreg [dreg:$0x13]  }
0x5d: {  	[tilespmem:s12], [sflag:$0x1] =	stream.linear.gather [hbm4b:s11+s3], $0x80, $0x38;
	[tilespmem:$0x170A0] =	vst v63  }
0x5e: {  	s18 =	simm.s32 $0x11680;
	s23 =	rddreg [dreg:$0x14]  }
0x5f: {  	[tilespmem:s18], [sflag:$0x1] =	stream.linear.gather [hbm4b:s13+s3], $0x80, $0x38;
	[tilespmem:$0x170A0] =	vst v63  }
0x60: {  	s24 =	simm.s32 $0x11700;
	s25 =	rddreg [dreg:$0x15]  }
0x61: {  	[tilespmem:s24], [sflag:$0x1] =	stream.linear.gather [hbm4b:s23+s3], $0x80, $0x38;
	[tilespmem:$0x170A0] =	vst v63  }
0x62: {  	s26 =	simm.s32 $0x11780;
	s11 =	rddreg [dreg:$0x16]  }
0x63: {  	[tilespmem:s26], [sflag:$0x1] =	stream.linear.gather [hbm4b:s25+s3], $0x80, $0x38;
	[tilespmem:$0x170A0] =	vst v63  }
0x64: {  	s12 =	simm.s32 $0x11800;
	s13 =	rddreg [dreg:$0x17]  }
0x65: {  	[tilespmem:s12], [sflag:$0x1] =	stream.linear.gather [hbm4b:s11+s3], $0x80, $0x38;
	[tilespmem:$0x170A0] =	vst v63  }
0x66: {  	s18 =	simm.s32 $0x11880;
	s23 =	rddreg [dreg:$0x18]  }
0x67: {  	[tilespmem:s18], [sflag:$0x1] =	stream.linear.gather [hbm4b:s13+s3], $0x80, $0x38;
	[tilespmem:$0x170A0] =	vst v63  }
0x68: {  	s24 =	simm.s32 $0x11900;
	s25 =	rddreg [dreg:$0x19]  }
0x69: {  	[tilespmem:s24], [sflag:$0x1] =	stream.linear.gather [hbm4b:s23+s3], $0x80, $0x38;
	[tilespmem:$0x170A0] =	vst v63  }
0x6a: {  	s26 =	simm.s32 $0x11980;
	s11 =	rddreg [dreg:$0x1a]  }
0x6b: {  	[tilespmem:s26], [sflag:$0x1] =	stream.linear.gather [hbm4b:s25+s3], $0x80, $0x38;
	[tilespmem:$0x170A0] =	vst v63  }
0x6c: {  	s12 =	simm.s32 $0x11A00;
	s13 =	rddreg [dreg:$0x1b]  }
0x6d: {  	[tilespmem:s12], [sflag:$0x1] =	stream.linear.gather [hbm4b:s11+s3], $0x80, $0x38;
	[tilespmem:$0x170A0] =	vst v63  }
0x6e: {  	s18 =	simm.s32 $0x11A80;
	s23 =	rddreg [dreg:$0x1c]  }
0x6f: {  	[tilespmem:s18], [sflag:$0x1] =	stream.linear.gather [hbm4b:s13+s3], $0x80, $0x38;
	[tilespmem:$0x170A0] =	vst v63  }
0x70: {  	s24 =	simm.s32 $0x11B00;
	s25 =	rddreg [dreg:$0x1d]  }
0x71: {  	[tilespmem:s24], [sflag:$0x1] =	stream.linear.gather [hbm4b:s23+s3], $0x80, $0x38;
	[tilespmem:$0x170A0] =	vst v63  }
0x72: {  	s26 =	simm.s32 $0x11B80;
	s11 =	rddreg [dreg:$0x1e]  }
0x73: {  	[tilespmem:s26], [sflag:$0x1] =	stream.linear.gather [hbm4b:s25+s3], $0x80, $0x38;
	[tilespmem:$0x170A0] =	vst v63  }
0x74: {  	s12 =	simm.s32 $0x11C00;
	s13 =	rddreg [dreg:$0x1f]  }
0x75: {  	[tilespmem:s12], [sflag:$0x1] =	stream.linear.gather [hbm4b:s11+s3], $0x80, $0x38;
	[tilespmem:$0x170A0] =	vst v63  }
0x76: {  	s18 =	sld [smem:$0x7F7]  }
0x77: {  	[tilespmem:s3], [sflag:$0x2] =	stream.linear.gather [hbm4b:s13+s3], $0x4000, $0x38;
	[tilespmem:$0x170A0] =	vst v63  }
0x78: {  	s23 =	simm.s32 $0x4000;
	s24 =	sld [smem:$0x7F8]  }
0x79: {  	[tilespmem:s23], [sflag:$0x3] =	stream.linear.gather [hbm4b:s18+s3], $0x4000, $0x38;
	[tilespmem:$0x170A0] =	vst v63  }
0x7a: {  	s25 =	simm.s32 $0x8000  }
0x7b: {  	[tilespmem:s25], [sflag:$0x4] =	stream.linear.gather [hbm4b:s24+s3], $0x4000, $0x38;
	[tilespmem:$0x170A0] =	vst v63  }
0x7c: {  	_ = 	snop  }
0x7d: {  	[spmem:s7] =	stream.linear.scatter [tilespmem:s10], [sflag:$0xB], $0x2000, $0x38;
	[tilespmem:$0x170A0] =	vst v63  }
0x7e: {  	_ =	swait.ge [sflag:s19], $0x2000  }
0x7f: {  	[sflag:s19] =	ssyncset.done $0x0  }
0x80: {  	s26 =	simm.s32 $0x144A0;
	[sflag:s19] =	ssyncadd.s32 $0xFFFFE000  }
0x81: {  	[spmem:s8] =	stream.linear.scatter [tilespmem:s26], [sflag:$0xB], $0x400, $0x38;
	[tilespmem:$0x170A0] =	vst v63  }
0x82: {  	_ =	swait.ge [sflag:s19], $0x400  }
0x83: {  	[sflag:s19] =	ssyncset.done $0x0  }
0x84: {  	[sflag:s19] =	ssyncadd.s32 $0xFFFFFC00  }
0x85: {  	[bflag:$0x0] =	sbarrier.arrive $0xFFFF  }
0x86: {  	_ =	swait.ge [sflag:s20], $0x80  }
0x87: {  	[sflag:s20] =	ssyncset.done $0x0  }
0x88: {  	[sflag:s20] =	ssyncadd.s32 $0xFFFFFF80  }
0x89: {  	_ =	swait.ge [sflag:s20], $0x80  }
0x8a: {  	[sflag:s20] =	ssyncset.done $0x0  }
0x8b: {  	[sflag:s20] =	ssyncadd.s32 $0xFFFFFF80  }
0x8c: {  	_ =	swait.ge [sflag:s20], $0x80  }
0x8d: {  	[sflag:s20] =	ssyncset.done $0x0  }
0x8e: {  	[sflag:s20] =	ssyncadd.s32 $0xFFFFFF80  }
0x8f: {  	_ =	swait.ge [sflag:s20], $0x80  }
0x90: {  	[sflag:s20] =	ssyncset.done $0x0  }
0x91: {  	[sflag:s20] =	ssyncadd.s32 $0xFFFFFF80  }
0x92: {  	_ =	swait.ge [sflag:s20], $0x80  }
0x93: {  	[sflag:s20] =	ssyncset.done $0x0  }
0x94: {  	[sflag:s20] =	ssyncadd.s32 $0xFFFFFF80  }
0x95: {  	_ =	swait.ge [sflag:s20], $0x80  }
0x96: {  	[sflag:s20] =	ssyncset.done $0x0  }
0x97: {  	[sflag:s20] =	ssyncadd.s32 $0xFFFFFF80  }
0x98: {  	_ =	swait.ge [sflag:s20], $0x80  }
0x99: {  	[sflag:s20] =	ssyncset.done $0x0  }
0x9a: {  	[sflag:s20] =	ssyncadd.s32 $0xFFFFFF80  }
0x9b: {  	_ =	swait.ge [sflag:s20], $0x80  }
0x9c: {  	[sflag:s20] =	ssyncset.done $0x0  }
0x9d: {  	[sflag:s20] =	ssyncadd.s32 $0xFFFFFF80  }
0x9e: {  	_ =	swait.ge [sflag:s20], $0x80  }
0x9f: {  	[sflag:s20] =	ssyncset.done $0x0  }
0xa0: {  	[sflag:s20] =	ssyncadd.s32 $0xFFFFFF80  }
0xa1: {  	_ =	swait.ge [sflag:s20], $0x80  }
0xa2: {  	[sflag:s20] =	ssyncset.done $0x0  }
0xa3: {  	[sflag:s20] =	ssyncadd.s32 $0xFFFFFF80  }
0xa4: {  	_ =	swait.ge [sflag:s20], $0x80  }
0xa5: {  	[sflag:s20] =	ssyncset.done $0x0  }
0xa6: {  	[sflag:s20] =	ssyncadd.s32 $0xFFFFFF80  }
0xa7: {  	_ =	swait.ge [sflag:s20], $0x80  }
0xa8: {  	[sflag:s20] =	ssyncset.done $0x0  }
0xa9: {  	[sflag:s20] =	ssyncadd.s32 $0xFFFFFF80  }
0xaa: {  	_ =	swait.ge [sflag:s20], $0x80  }
0xab: {  	[sflag:s20] =	ssyncset.done $0x0  }
0xac: {  	[sflag:s20] =	ssyncadd.s32 $0xFFFFFF80  }
0xad: {  	_ =	swait.ge [sflag:s20], $0x80  }
0xae: {  	[sflag:s20] =	ssyncset.done $0x0  }
0xaf: {  	[sflag:s20] =	ssyncadd.s32 $0xFFFFFF80  }
0xb0: {  	_ =	swait.ge [sflag:s20], $0x80  }
0xb1: {  	[sflag:s20] =	ssyncset.done $0x0  }
0xb2: {  	[sflag:s20] =	ssyncadd.s32 $0xFFFFFF80  }
0xb3: {  	_ =	swait.ge [sflag:s20], $0x80  }
0xb4: {  	[sflag:s20] =	ssyncset.done $0x0  }
0xb5: {  	[sflag:s20] =	ssyncadd.s32 $0xFFFFFF80  }
0xb6: {  	_ =	swait.ge [sflag:s20], $0x80  }
0xb7: {  	[sflag:s20] =	ssyncset.done $0x0  }
0xb8: {  	[sflag:s20] =	ssyncadd.s32 $0xFFFFFF80  }
0xb9: {  	_ =	swait.ge [sflag:s20], $0x80  }
0xba: {  	[sflag:s20] =	ssyncset.done $0x0  }
0xbb: {  	[sflag:s20] =	ssyncadd.s32 $0xFFFFFF80  }
0xbc: {  	_ =	swait.ge [sflag:s20], $0x80  }
0xbd: {  	[sflag:s20] =	ssyncset.done $0x0  }
0xbe: {  	[sflag:s20] =	ssyncadd.s32 $0xFFFFFF80  }
0xbf: {  	_ =	swait.ge [sflag:s20], $0x80  }
0xc0: {  	[sflag:s20] =	ssyncset.done $0x0  }
0xc1: {  	[sflag:s20] =	ssyncadd.s32 $0xFFFFFF80  }
0xc2: {  	_ =	swait.ge [sflag:s20], $0x80  }
0xc3: {  	[sflag:s20] =	ssyncset.done $0x0  }
0xc4: {  	[sflag:s20] =	ssyncadd.s32 $0xFFFFFF80  }
0xc5: {  	_ =	swait.ge [sflag:s20], $0x80  }
0xc6: {  	[sflag:s20] =	ssyncset.done $0x0  }
0xc7: {  	[sflag:s20] =	ssyncadd.s32 $0xFFFFFF80  }
0xc8: {  	_ =	swait.ge [sflag:s20], $0x80  }
0xc9: {  	[sflag:s20] =	ssyncset.done $0x0  }
0xca: {  	[sflag:s20] =	ssyncadd.s32 $0xFFFFFF80  }
0xcb: {  	_ =	swait.ge [sflag:s20], $0x80  }
0xcc: {  	[sflag:s20] =	ssyncset.done $0x0  }
0xcd: {  	p1 =	por $0x1, $0x1;
	[sflag:s20] =	ssyncadd.s32 $0xFFFFFF80  }
0xce: {  	p2 =	slt.u32 @!p1 s5, $0x0;
	_ =	swait.ge [sflag:s20], $0x80  }
0xcf: {  	p3 =	por p2, p1;
	[sflag:s20] =	ssyncset.done $0x0  }
0xd0: {  	s3 =	simm.s32 @!p3 $0x9;
	[sflag:s20] =	ssyncadd.s32 $0xFFFFFF80  }
0xd1: {  	p1 =	sle.u32 s5, $0x3;
	_ =	swait.ge @!p3 [sflag:s3], $0x4000  }
0xd2: {  	p2 =	sle.u32 s5, $0x0;
	s6 =	simm.s32 @!p1 $0x0;
	[sflag:s3] =	ssyncset.done @!p3 $0x0  }
0xd3: {  	s28 =	simm.s32 @!p1 $0xC000;
	[sflag:s3] =	ssyncadd.s32 @!p3 $0xFFFFC000;
	s3 =	simm.s32 @!p2 $0x2  }
0xd4: {  	[tilespmem:s28], [sflag:$0x5] =	stream.linear.gather @!p1 [hbm4b:s14+s6], $0x4000, $0x38;
	[tilespmem:$0x170A0] =	vst v63  }
0xd5: {  	_ =	swait.ge @!p2 [sflag:s3], $0x4000  }
0xd6: {  	[sflag:s3] =	ssyncset.done @!p2 $0x0  }
0xd7: {  	s6 =	simm.s32 @!p2 $0x11CA0;
	[sflag:s3] =	ssyncadd.s32 @!p2 $0xFFFFC000;
	s3 =	simm.s32 @!p2 $0x80  }
0xd8: {  	[spmem:s2] =	stream.indirect.scatter.add.f32 @!p2 [tilespmem:s6], [sflag:$0xA], $0x10, s0, s3, $0xb8;
	[tilespmem:$0x170A0] =	vst v63  }
0xd9: {  	s9 =	simm.s32 @!p2 $0x6;
	s6 =	simm.s32 @!p2 $0x0  }
0xda: {  	[spmem:s1] =	stream.indirect.scatter.add.f32 @!p2 [tilespmem:s6], [sflag:$0x6], $0x80, s0, s3, $0xb8;
	[tilespmem:$0x170A0] =	vst v63  }
0xdb: {  	_ =	swait.ge @!p2 [sflag:s9], $0x4000  }
0xdc: {  	p4 =	sle.u32 s5, $0x4;
	[sflag:s9] =	ssyncset.done @!p2 $0x0  }
0xdd: {  	p3 =	sle.u32 s5, $0x1;
	s0 =	simm.s32 @!p4 $0x0;
	[sflag:s9] =	ssyncadd.s32 @!p2 $0xFFFFC000  }
0xde: {  	[tilespmem:s0], [sflag:$0x2] =	stream.linear.gather @!p4 [hbm4b:s15+s0], $0x4000, $0x38;
	[tilespmem:$0x170A0] =	vst v63  }
0xdf: {  	s0 =	simm.s32 @!p3 $0x3  }
0xe0: {  	_ =	swait.ge @!p3 [sflag:s0], $0x4000  }
0xe1: {  	s31 =	simm.s32 $0x8;
	s3 =	simm.s32 @!p3 $0x11CA0;
	[sflag:s0] =	ssyncset.done @!p3 $0x0  }
0xe2: {  	s6 =	simm.s32 @!p3 $0x11080;
	s9 =	simm.s32 @!p3 $0x80;
	[sflag:s0] =	ssyncadd.s32 @!p3 $0xFFFFC000  }
0xe3: {  	[spmem:s2] =	stream.indirect.scatter.add.f32 @!p3 [tilespmem:s3], [sflag:$0xA], $0x10, s6, s9, $0xb8;
	[tilespmem:$0x170A0] =	vst v63  }
0xe4: {  	s29 =	sadd.s32 $0x2000, s15;
	s0 =	simm.s32 @!p3 $0x4000;
	s3 =	simm.s32 @!p3 $0x7  }
0xe5: {  	[spmem:s1] =	stream.indirect.scatter.add.f32 @!p3 [tilespmem:s0], [sflag:$0x7], $0x80, s6, s9, $0xb8;
	[tilespmem:$0x170A0] =	vst v63  }
0xe6: {  	s30 =	sadd.s32 $0x2000, s14;
	p4 =	sle.u32 s5, $0x5;
	_ =	swait.ge @!p3 [sflag:s3], $0x4000  }
0xe7: {  	p2 =	sle.u32 s5, $0x2;
	s0 =	simm.s32 @!p4 $0x0;
	[sflag:s3] =	ssyncset.done @!p3 $0x0  }
0xe8: {  	s6 =	simm.s32 @!p2 $0x4;
	[sflag:s3] =	ssyncadd.s32 @!p3 $0xFFFFC000;
	s3 =	simm.s32 @!p4 $0x4000  }
0xe9: {  	[tilespmem:s3], [sflag:$0x3] =	stream.linear.gather @!p4 [hbm4b:s16+s0], $0x4000, $0x38;
	[tilespmem:$0x170A0] =	vst v63  }
0xea: {  	s23 =	sadd.s32 $0x2000, s17;
	s24 =	simm.s32 $0x4;
	_ =	swait.ge @!p2 [sflag:s6], $0x4000  }
0xeb: {  	s25 =	simm.s32 $0x11200;
	s9 =	simm.s32 @!p2 $0x80;
	[sflag:s6] =	ssyncset.done @!p2 $0x0  }
0xec: {  	s0 =	simm.s32 @!p2 $0x11CA0;
	s3 =	simm.s32 @!p2 $0x11100;
	[sflag:s6] =	ssyncadd.s32 @!p2 $0xFFFFC000  }
0xed: {  	[spmem:s2] =	stream.indirect.scatter.add.f32 @!p2 [tilespmem:s0], [sflag:$0xA], $0x10, s3, s9, $0xb8;
	[tilespmem:$0x170A0] =	vst v63  }
0xee: {  	s10 =	simm.s32 @!p1 $0x5;
	s6 =	simm.s32 @!p2 $0x8;
	s0 =	simm.s32 @!p2 $0x8000  }
0xef: {  	[spmem:s1] =	stream.indirect.scatter.add.f32 @!p2 [tilespmem:s0], [sflag:$0x8], $0x80, s3, s9, $0xb8;
	[tilespmem:$0x170A0] =	vst v63  }
0xf0: {  	s26 =	sadd.s32 $0x2000, s16;
	p3 =	sle.u32 s5, $0x6;
	_ =	swait.ge @!p2 [sflag:s6], $0x4000  }
0xf1: {  	p4 =	por $0x0, $0x0;
	s0 =	simm.s32 @!p3 $0x0;
	[sflag:s6] =	ssyncset.done @!p2 $0x0  }
0xf2: {  	s3 =	simm.s32 @!p3 $0x8000;
	s9 =	simm.s32 @!p1 $0x11180;
	[sflag:s6] =	ssyncadd.s32 @!p2 $0xFFFFC000  }
0xf3: {  	[tilespmem:s3], [sflag:$0x4] =	stream.linear.gather @!p3 [hbm4b:s17+s0], $0x4000, $0x38;
	[tilespmem:$0x170A0] =	vst v63  }
0xf4: {  	p3 =	slt.u32 @!p4 s5, $0x4;
	s0 =	simm.s32 $0x8;
	_ =	swait.ge @!p1 [sflag:s10], $0x4000  }
.LBB2_8:
0xf5: {  	p4 =	por p3, p4;
	[sflag:s10] =	ssyncset.done @!p1 $0x0;
	s6 =	smov.u32 s24  }
0xf6: {  	s24 =	smov.u32 s31;
	s31 =	sadd.s32 $0x4, s31;
	s3 =	smov.u32 s23  }
0xf7: {  	s11 =	simm.s32 @!p1 $0x11CA0;
	[sflag:s10] =	ssyncadd.s32 @!p1 $0xFFFFC000;
	s10 =	simm.s32 @!p1 $0x80  }
0xf8: {  	[spmem:s2] =	stream.indirect.scatter.add.f32 @!p1 [tilespmem:s11], [sflag:$0xA], $0x10, s9, s10, $0xb8;
	[tilespmem:$0x170A0] =	vst v63  }
0xf9: {  	p2 =	sne.s32 s31, $0x20;
	s12 =	sadd.s32 $0x3, s6;
	s11 =	simm.s32 @!p4 $0x9  }
0xfa: {  	[spmem:s1] =	stream.indirect.scatter.add.f32 @!p1 [tilespmem:s28], [sflag:$0x9], $0x80, s9, s10, $0xb8;
	[tilespmem:$0x170A0] =	vst v63  }
0xfb: {  	p3 =	sge.u32 s6, s5;
	p1 =	sge.u32 s12, s5;
	_ =	swait.ge @!p4 [sflag:s11], $0x4000  }
0xfc: {  	s10 =	simm.s32 @!p1 $0x0;
	s28 =	simm.s32 @!p1 $0xC000;
	[sflag:s11] =	ssyncset.done @!p4 $0x0  }
0xfd: {  	s9 =	smov.u32 s25;
	[sflag:s11] =	ssyncadd.s32 @!p4 $0xFFFFC000;
	s11 =	simm.s32 @!p3 $0x2  }
0xfe: {  	[tilespmem:s28], [sflag:$0x5] =	stream.linear.gather @!p1 [hbm4b:s30+s10], $0x4000, $0x38;
	[tilespmem:$0x170A0] =	vst v63  }
0xff: {  	_ =	swait.ge @!p3 [sflag:s11], $0x4000  }
0x100: {  	[sflag:s11] =	ssyncset.done @!p3 $0x0  }
0x101: {  	s10 =	simm.s32 @!p3 $0x80;
	[sflag:s11] =	ssyncadd.s32 @!p3 $0xFFFFC000;
	s11 =	simm.s32 @!p3 $0x11CA0  }
0x102: {  	[spmem:s2] =	stream.indirect.scatter.add.f32 @!p3 [tilespmem:s11], [sflag:$0xA], $0x10, s25, s10, $0xb8;
	[tilespmem:$0x170A0] =	vst v63  }
0x103: {  	s12 =	simm.s32 @!p3 $0x6;
	s11 =	simm.s32 @!p3 $0x0  }
0x104: {  	[spmem:s1] =	stream.indirect.scatter.add.f32 @!p3 [tilespmem:s11], [sflag:$0x6], $0x80, s25, s10, $0xb8;
	[tilespmem:$0x170A0] =	vst v63  }
0x105: {  	_ =	swait.ge @!p3 [sflag:s12], $0x4000  }
0x106: {  	p5 =	sge.u32 s0, s5;
	s10 =	sadd.s32 $0x1, s6;
	[sflag:s12] =	ssyncset.done @!p3 $0x0  }
0x107: {  	s0 =	simm.s32 @!p5 $0x0;
	p4 =	sge.u32 s10, s5;
	[sflag:s12] =	ssyncadd.s32 @!p3 $0xFFFFC000  }
0x108: {  	[tilespmem:s0], [sflag:$0x2] =	stream.linear.gather @!p5 [hbm4b:s29+s0], $0x4000, $0x38;
	[tilespmem:$0x170A0] =	vst v63  }
0x109: {  	s10 =	simm.s32 @!p4 $0x3;
	s0 =	smov.u32 s31  }
0x10a: {  	s11 =	simm.s32 @!p4 $0x11CA0;
	_ =	swait.ge @!p4 [sflag:s10], $0x4000  }
0x10b: {  	s13 =	simm.s32 @!p4 $0x80;
	s12 =	sadd.s32 @!p4 $0x80, s25;
	[sflag:s10] =	ssyncset.done @!p4 $0x0  }
0x10c: {  	s23 =	sadd.s32 $0x2000, s23;
	s18 =	sadd.s32 $0x5, s6;
	[sflag:s10] =	ssyncadd.s32 @!p4 $0xFFFFC000  }
0x10d: {  	[spmem:s2] =	stream.indirect.scatter.add.f32 @!p4 [tilespmem:s11], [sflag:$0xA], $0x10, s12, s13, $0xb8;
	[tilespmem:$0x170A0] =	vst v63  }
0x10e: {  	p5 =	sge.u32 s18, s5;
	s10 =	simm.s32 @!p4 $0x4000;
	s11 =	simm.s32 @!p4 $0x7  }
0x10f: {  	[spmem:s1] =	stream.indirect.scatter.add.f32 @!p4 [tilespmem:s10], [sflag:$0x7], $0x80, s12, s13, $0xb8;
	[tilespmem:$0x170A0] =	vst v63  }
0x110: {  	s29 =	sadd.s32 $0x2000, s29;
	s10 =	sadd.s32 $0x2, s6;
	_ =	swait.ge @!p4 [sflag:s11], $0x4000  }
0x111: {  	s12 =	simm.s32 @!p5 $0x0;
	p3 =	sge.u32 s10, s5;
	[sflag:s11] =	ssyncset.done @!p4 $0x0  }
0x112: {  	s10 =	simm.s32 @!p5 $0x4000;
	[sflag:s11] =	ssyncadd.s32 @!p4 $0xFFFFC000;
	s11 =	simm.s32 @!p3 $0x4  }
0x113: {  	[tilespmem:s10], [sflag:$0x3] =	stream.linear.gather @!p5 [hbm4b:s26+s12], $0x4000, $0x38;
	[tilespmem:$0x170A0] =	vst v63  }
0x114: {  	s10 =	simm.s32 @!p3 $0x11CA0;
	s26 =	sadd.s32 $0x2000, s26;
	_ =	swait.ge @!p3 [sflag:s11], $0x4000  }
0x115: {  	s13 =	simm.s32 @!p3 $0x80;
	s12 =	sadd.s32 @!p3 $0x100, s25;
	[sflag:s11] =	ssyncset.done @!p3 $0x0  }
0x116: {  	s6 =	sadd.s32 $0x6, s6;
	[sflag:s11] =	ssyncadd.s32 @!p3 $0xFFFFC000;
	s11 =	simm.s32 @!p3 $0x8000  }
0x117: {  	[spmem:s2] =	stream.indirect.scatter.add.f32 @!p3 [tilespmem:s10], [sflag:$0xA], $0x10, s12, s13, $0xb8;
	[tilespmem:$0x170A0] =	vst v63  }
0x118: {  	s30 =	sadd.s32 $0x2000, s30;
	s18 =	simm.s32 @!p3 $0x8;
	p5 =	sge.u32 s6, s5  }
0x119: {  	[spmem:s1] =	stream.indirect.scatter.add.f32 @!p3 [tilespmem:s11], [sflag:$0x8], $0x80, s12, s13, $0xb8;
	[tilespmem:$0x170A0] =	vst v63  }
.Ltmp3:
0x11a: {  	s10 =	simm.s32 @!p1 $0x5;
	_ =	swait.ge @!p3 [sflag:s18], $0x4000;
	(pc) =	sbr.rel @p2 .LBB2_8-.Ltmp3, $4  }
0x11b: {  	s6 =	simm.s32 @!p5 $0x0;
	s11 =	simm.s32 @!p5 $0x8000;
	[sflag:s18] =	ssyncset.done @!p3 $0x0  }
0x11c: {  	p4 =	seq.s32 s24, $0x0;
	s25 =	sadd.s32 $0x200, s25;
	[sflag:s18] =	ssyncadd.s32 @!p3 $0xFFFFC000  }
0x11d: {  	[tilespmem:s11], [sflag:$0x4] =	stream.linear.gather @!p5 [hbm4b:s3+s6], $0x4000, $0x38;
	[tilespmem:$0x170A0] =	vst v63  }
0x11e: {  	s9 =	sadd.s32 @!p1 $0x180, s9;
	p3 =	sgt.u32 @!p4 s24, s5;
	_ =	swait.ge @!p1 [sflag:s10], $0x4000  }
0x11f: {  	p3 =	por p3, p4;
	[sflag:s10] =	ssyncset.done @!p1 $0x0  }
0x120: {  	s3 =	simm.s32 @!p1 $0x80;
	s6 =	simm.s32 @!p1 $0x11CA0;
	[sflag:s10] =	ssyncadd.s32 @!p1 $0xFFFFC000  }
0x121: {  	[spmem:s2] =	stream.indirect.scatter.add.f32 @!p1 [tilespmem:s6], [sflag:$0xA], $0x10, s9, s3, $0xb8;
	[tilespmem:$0x170A0] =	vst v63  }
0x122: {  	s18 =	sadd.s32 $0x3, s24;
	s6 =	simm.s32 @!p3 $0x9  }
0x123: {  	[spmem:s1] =	stream.indirect.scatter.add.f32 @!p1 [tilespmem:s28], [sflag:$0x9], $0x80, s9, s3, $0xb8;
	[tilespmem:$0x170A0] =	vst v63  }
0x124: {  	p1 =	sge.u32 s18, s5;
	_ =	swait.ge @!p3 [sflag:s6], $0x4000  }
0x125: {  	p2 =	sge.u32 s24, s5;
	s9 =	simm.s32 @!p1 $0x0;
	[sflag:s6] =	ssyncset.done @!p3 $0x0  }
0x126: {  	s3 =	simm.s32 @!p1 $0xC000;
	[sflag:s6] =	ssyncadd.s32 @!p3 $0xFFFFC000;
	s6 =	simm.s32 @!p2 $0x2  }
0x127: {  	[tilespmem:s3], [sflag:$0x5] =	stream.linear.gather @!p1 [hbm4b:s30+s9], $0x4000, $0x38;
	[tilespmem:$0x170A0] =	vst v63  }
0x128: {  	_ =	swait.ge @!p2 [sflag:s6], $0x4000  }
0x129: {  	[sflag:s6] =	ssyncset.done @!p2 $0x0  }
0x12a: {  	s9 =	simm.s32 @!p2 $0x11CA0;
	[sflag:s6] =	ssyncadd.s32 @!p2 $0xFFFFC000;
	s6 =	simm.s32 @!p2 $0x80  }
0x12b: {  	[spmem:s2] =	stream.indirect.scatter.add.f32 @!p2 [tilespmem:s9], [sflag:$0xA], $0x10, s25, s6, $0xb8;
	[tilespmem:$0x170A0] =	vst v63  }
0x12c: {  	s10 =	simm.s32 @!p2 $0x6;
	s9 =	simm.s32 @!p2 $0x0  }
0x12d: {  	[spmem:s1] =	stream.indirect.scatter.add.f32 @!p2 [tilespmem:s9], [sflag:$0x6], $0x80, s25, s6, $0xb8;
	[tilespmem:$0x170A0] =	vst v63  }
0x12e: {  	_ =	swait.ge @!p2 [sflag:s10], $0x4000  }
0x12f: {  	p4 =	sge.u32 s0, s5;
	s28 =	sadd.s32 $0x1, s24;
	[sflag:s10] =	ssyncset.done @!p2 $0x0  }
0x130: {  	s0 =	simm.s32 @!p4 $0x0;
	p3 =	sge.u32 s28, s5;
	[sflag:s10] =	ssyncadd.s32 @!p2 $0xFFFFC000  }
0x131: {  	[tilespmem:s0], [sflag:$0x2] =	stream.linear.gather @!p4 [hbm4b:s29+s0], $0x4000, $0x38;
	[tilespmem:$0x170A0] =	vst v63  }
0x132: {  	s0 =	simm.s32 @!p3 $0x3  }
0x133: {  	_ =	swait.ge @!p3 [sflag:s0], $0x4000  }
0x134: {  	s6 =	simm.s32 @!p3 $0x11CA0;
	[sflag:s0] =	ssyncset.done @!p3 $0x0  }
0x135: {  	s9 =	sadd.s32 @!p3 $0x80, s25;
	s10 =	simm.s32 @!p3 $0x80;
	[sflag:s0] =	ssyncadd.s32 @!p3 $0xFFFFC000  }
0x136: {  	[spmem:s2] =	stream.indirect.scatter.add.f32 @!p3 [tilespmem:s6], [sflag:$0xA], $0x10, s9, s10, $0xb8;
	[tilespmem:$0x170A0] =	vst v63  }
0x137: {  	s11 =	sadd.s32 $0x5, s24;
	s0 =	simm.s32 @!p3 $0x4000;
	s6 =	simm.s32 @!p3 $0x7  }
0x138: {  	[spmem:s1] =	stream.indirect.scatter.add.f32 @!p3 [tilespmem:s0], [sflag:$0x7], $0x80, s9, s10, $0xb8;
	[tilespmem:$0x170A0] =	vst v63  }
0x139: {  	s30 =	sadd.s32 $0x2, s24;
	p4 =	sge.u32 s11, s5;
	_ =	swait.ge @!p3 [sflag:s6], $0x4000  }
0x13a: {  	p2 =	sge.u32 s30, s5;
	s9 =	simm.s32 @!p4 $0x0;
	[sflag:s6] =	ssyncset.done @!p3 $0x0  }
0x13b: {  	s0 =	simm.s32 @!p4 $0x4000;
	[sflag:s6] =	ssyncadd.s32 @!p3 $0xFFFFC000;
	s6 =	simm.s32 @!p2 $0x4  }
0x13c: {  	[tilespmem:s0], [sflag:$0x3] =	stream.linear.gather @!p4 [hbm4b:s26+s9], $0x4000, $0x38;
	[tilespmem:$0x170A0] =	vst v63  }
0x13d: {  	_ =	swait.ge @!p2 [sflag:s6], $0x4000  }
0x13e: {  	s10 =	simm.s32 @!p2 $0x80;
	[sflag:s6] =	ssyncset.done @!p2 $0x0  }
0x13f: {  	s0 =	simm.s32 @!p2 $0x11CA0;
	s9 =	sadd.s32 @!p2 $0x100, s25;
	[sflag:s6] =	ssyncadd.s32 @!p2 $0xFFFFC000  }
0x140: {  	[spmem:s2] =	stream.indirect.scatter.add.f32 @!p2 [tilespmem:s0], [sflag:$0xA], $0x10, s9, s10, $0xb8;
	[tilespmem:$0x170A0] =	vst v63  }
0x141: {  	s6 =	simm.s32 @!p2 $0x8;
	s0 =	simm.s32 @!p2 $0x8000  }
0x142: {  	[spmem:s1] =	stream.indirect.scatter.add.f32 @!p2 [tilespmem:s0], [sflag:$0x8], $0x80, s9, s10, $0xb8;
	[tilespmem:$0x170A0] =	vst v63  }
0x143: {  	s31 =	sadd.s32 $0x6, s24;
	_ =	swait.ge @!p2 [sflag:s6], $0x4000  }
0x144: {  	p3 =	sge.u32 s31, s5;
	s0 =	simm.s32 @!p1 $0x5;
	[sflag:s6] =	ssyncset.done @!p2 $0x0  }
0x145: {  	s9 =	simm.s32 @!p3 $0x0;
	s10 =	simm.s32 @!p3 $0x8000;
	[sflag:s6] =	ssyncadd.s32 @!p2 $0xFFFFC000  }
0x146: {  	[tilespmem:s10], [sflag:$0x4] =	stream.linear.gather @!p3 [hbm4b:s23+s9], $0x4000, $0x38;
	[tilespmem:$0x170A0] =	vst v63  }
0x147: {  	_ =	swait.ge @!p1 [sflag:s0], $0x4000  }
0x148: {  	s6 =	sadd.s32 @!p1 $0x180, s25;
	[sflag:s0] =	ssyncset.done @!p1 $0x0  }
0x149: {  	s9 =	simm.s32 @!p1 $0x11CA0;
	[sflag:s0] =	ssyncadd.s32 @!p1 $0xFFFFC000;
	s0 =	simm.s32 @!p1 $0x80  }
0x14a: {  	[spmem:s2] =	stream.indirect.scatter.add.f32 @!p1 [tilespmem:s9], [sflag:$0xA], $0x10, s6, s0, $0xb8;
	[tilespmem:$0x170A0] =	vst v63  }
0x14b: {  	_ = 	snop  }
0x14c: {  	[spmem:s1] =	stream.indirect.scatter.add.f32 @!p1 [tilespmem:s3], [sflag:$0x9], $0x80, s6, s0, $0xb8;
	[tilespmem:$0x170A0] =	vst v63  }
0x14d: {  	p1 =	sne.s32 s5, $0x1  }
.Ltmp4:
0x14e: {  	_ = 	snop;
	(pc) =	sbr.rel @!p1 .LBB2_11-.Ltmp4, $3  }
0x14f: {  	_ =	sdelay $0x1  }
0x150: {  	_ =	swait.ge [sflag:s21], $0x800  }
0x151: {  	s0 =	sadd.s32 $0xFFFFFFFF, s5;
	[sflag:s21] =	ssyncset.done $0x0  }
.LBB2_10:
0x152: {  	p1 =	sne.s32 s0, $0x1;
	s0 =	sadd.s32 $0xFFFFFFFF, s0;
	[sflag:s21] =	ssyncadd.s32 $0xFFFFF800  }
.Ltmp5:
0x153: {  	(pc) =	sbr.rel @p1 .LBB2_10-.Ltmp5, $3  }
0x154: {  	_ =	sdelay $0x1  }
0x155: {  	_ =	swait.ge [sflag:s21], $0x800  }
0x156: {  	[sflag:s21] =	ssyncset.done $0x0  }
.LBB2_11:
0x157: {  	s6 =	sld [smem:$0x7F9];
	_ =	sdelay $0x1  }
0x158: {  	[sflag:s21] =	ssyncadd.s32 $0xFFFFF800;
	s0 =	simm.s32 @!p0 $0x0;
	s3 =	simm.s32 @!p0 $0x11C80  }
0x159: {  	[tilespmem:s3], [sflag:$0xB] =	stream.linear.gather @!p0 [hbm4b:s6+s0], $0x20, $0x38;
	[tilespmem:$0x170A0] =	vst v63  }
0x15a: {  	s6 =	simm.s32 @!p0 $0xB  }
0x15b: {  	_ =	swait.ge @!p0 [sflag:s6], $0x20  }
0x15c: {  	s10 =	sld [smem:$0x7FA]  }
0x15d: {  	[sflag:s6] =	ssyncset.done @!p0 $0x0  }
0x15e: {  	s9 =	simm.s32 @!p0 $0x10000;
	[sflag:s6] =	ssyncadd.s32 @!p0 $0xFFFFFFE0  }
0x15f: {  	[tilespmem:s9], [sflag:$0xB] =	stream.linear.gather @!p0 [hbm4b:s10+s0], $0x1000, $0x38;
	[tilespmem:$0x170A0] =	vst v63  }
0x160: {  	_ =	swait.ge @!p0 [sflag:s6], $0x1000  }
0x161: {  	[sflag:s6] =	ssyncset.done @!p0 $0x0  }
0x162: {  	s0 =	simm.s32 @!p0 $0x20;
	[sflag:s6] =	ssyncadd.s32 @!p0 $0xFFFFF000  }
0x163: {  	[spmem:s1] =	stream.indirect.scatter.add.f32 @!p0 [tilespmem:s9], [sflag:$0xB], $0x80, s3, s0, $0xb8;
	[tilespmem:$0x170A0] =	vst v63  }
0x164: {  	_ =	swait.ge @!p0 [sflag:s6], $0x1000  }
0x165: {  	[sflag:s6] =	ssyncset.done @!p0 $0x0  }
0x166: {  	s9 =	simm.s32 @!p0 $0x11CA0;
	[sflag:s6] =	ssyncadd.s32 @!p0 $0xFFFFF000  }
0x167: {  	[spmem:s2] =	stream.indirect.scatter.add.f32 @!p0 [tilespmem:s9], [sflag:$0xB], $0x10, s3, s0, $0xb8;
	[tilespmem:$0x170A0] =	vst v63  }
0x168: {  	_ =	swait.ge @!p0 [sflag:s6], $0x200  }
0x169: {  	[sflag:s6] =	ssyncset.done @!p0 $0x0  }
0x16a: {  	[sflag:s6] =	ssyncadd.s32 @!p0 $0xFFFFFE00  }
0x16b: {  	[bflag:$0x0] =	sbarrier.arrive $0xFFFF  }
0x16c: {  	s26 =	stileid.u32;
	s29 =	sld [smem:$0x7FB]  }
0x16d: {  	s0 =	sshll.u32 s26, $0x6  }
0x16e: {  	s28 =	sshrl.u32 s7, $0x3;
	s0 =	sor.u32 $0x1C0B, s0  }
0x16f: {  	[hbm:s29], [sflag:s0] =	dma.local [spmem:s28], $0x400  }
0x170: {  	_ =	swait.ge [sflag:s19], $0x400  }
0x171: {  	[sflag:s19] =	ssyncset.done $0x0  }
0x172: {  	s30 =	simm.s32 $0x148A0;
	[sflag:s19] =	ssyncadd.s32 $0xFFFFFC00  }
0x173: {  	[tilespmem:s30], [sflag:$0xB] =	stream.linear.gather [spmem:s8], $0x400, $0x38;
	[tilespmem:$0x170A0] =	vst v63  }
0x174: {  	_ =	swait.ge [sflag:s19], $0x400  }
0x175: {  	[sflag:s19] =	ssyncset.done $0x0  }
0x176: {  	s31 =	simm.s32 $0x0;
	[sflag:s19] =	ssyncadd.s32 $0xFFFFFC00  }
0x177: {  	v2 =	vld.msk [tilespmem:s31+$0x148A0 ss:$0x0], $0xffff;
	_ =	sdelay $0x3  }
0x178: {  	s0 =	simm.s32 $0x124E0  }
0x179: {  	[tilespmem:s0+$0xFFFFFFC0] =	vst v2  }
0x17a: {  	[tilespmem:s0+$0xFFFFFFD0] =	vst v2  }
0x17b: {  	[tilespmem:s0+$0xFFFFFFE0] =	vst v2  }
0x17c: {  	[tilespmem:s0+$0xFFFFFFF0] =	vst v2  }
0x17d: {  	[tilespmem:s0+$0x0] =	vst v2  }
0x17e: {  	[tilespmem:s0+$0x10] =	vst v2  }
0x17f: {  	[tilespmem:s0+$0x20] =	vst v2  }
0x180: {  	s3 =	simm.s32 $0x80;
	s6 =	simm.s32 $0x10;
	[tilespmem:s0+$0x30] =	vst v2  }
.LBB2_12:
0x181: {  	p1 =	sne.s32 s3, $0xFC0;
	v2 =	vld.msk [tilespmem:s6+$0x148A0 ss:$0x0], $0xffff;
	_ =	sdelay $0x4  }
0x182: {  	s0 =	sadd.s32 $0x80, s0  }
0x183: {  	[tilespmem:s0+$0xFFFFFFC0] =	vst v2  }
0x184: {  	[tilespmem:s0+$0xFFFFFFD0] =	vst v2  }
0x185: {  	[tilespmem:s0+$0xFFFFFFE0] =	vst v2  }
.Ltmp6:
0x186: {  	[tilespmem:s0+$0xFFFFFFF0] =	vst v2;
	(pc) =	sbr.rel @p1 .LBB2_12-.Ltmp6, $4  }
0x187: {  	[tilespmem:s0+$0x0] =	vst v2  }
0x188: {  	[tilespmem:s0+$0x10] =	vst v2  }
0x189: {  	[tilespmem:s0+$0x20] =	vst v2  }
0x18a: {  	s6 =	sshra.s32 s3, $0x2;
	s3 =	sadd.s32 $0x40, s3;
	[tilespmem:s0+$0x30] =	vst v2  }
0x18b: {  	v2 =	vld.msk [tilespmem:s6+$0x148A0 ss:$0x0], $0xffff;
	_ =	sdelay $0x3  }
0x18c: {  	s0 =	sadd.s32 $0x80, s0  }
0x18d: {  	[tilespmem:s0+$0xFFFFFFC0] =	vst v2  }
0x18e: {  	[tilespmem:s0+$0xFFFFFFD0] =	vst v2  }
0x18f: {  	[tilespmem:s0+$0xFFFFFFE0] =	vst v2  }
0x190: {  	[tilespmem:s0+$0xFFFFFFF0] =	vst v2  }
0x191: {  	[tilespmem:s0+$0x0] =	vst v2  }
0x192: {  	s30 =	sld [smem:$0x7FC];
	[tilespmem:s0+$0x10] =	vst v2  }
0x193: {  	[tilespmem:s0+$0x20] =	vst v2  }
0x194: {  	s10 =	simm.s32 $0x124A0;
	[tilespmem:s0+$0x30] =	vst v2  }
0x195: {  	[hbm4b:s30+s4] =	stream.linear.scatter [tilespmem:s10], [sflag:$0xB], $0x2000, $0x38;
	[tilespmem:$0x170A0] =	vst v63  }
0x196: {  	_ =	swait.ge [sflag:s19], $0x2000  }
0x197: {  	s31 =	sld [smem:$0x7FD];
	_ =	sdelay $0x1  }
0x198: {  	s22 =	sadd.s32 $0x1, s22  }
0x199: {  	p1 =	sne.s32 s22, s31  }
.Ltmp7:
0x19a: {  	_ = 	snop;
	(pc) =	sbr.rel @p1 .LBB2_1-.Ltmp7, $3  }
0x19b: {  	_ =	sdelay $0x1  }
0x19c: {  	[sflag:s19] =	ssyncset.done $0x0  }
0x19d: {  	[sflag:s19] =	ssyncadd.s32 $0xFFFFE000  }
0x19e: {  	_ =	sfence.sel $0x180000  }
0x19f: {  	[bflag:$0x0] =	sbarrier.arrive $0xFFFF  }
0x1a0: {  	_ =	strace $0x90000047  }
0x1a1: {  	s0 =	stileid.u32;
	[bflag:$0x2] =	sbarrier.arrive $0xFFFF  }
0x1a2: {  	p0 =	sne.s32 s0, $0x0;
	s0 =	rddreg [dreg:$0x5]  }
0x1a3: {  	s0 =	sadd.s32 @!p0 $0x100000, s0  }
0x1a4: {  	[sflag:s0] =	ssyncadd.tile.s32 @!p0 $0x1;
	_ =	shalt  }
.Lfunc_end2:
_tile_overlayer_lowered:
.L_overlay_start_2:
0x1a5: {  	(tag) =	ssettag $0x2  }
0x1a6: {  	s0 =	rddreg [dreg:$0x0];
	s2 =	stileid.u32  }
0x1a7: {  	s1 =	rddreg [dreg:$0x1];
	p0 =	sne.s32 s2, $0x0  }
0x1a8: {  	s3 =	rddreg [dreg:$0x2];
	[bflag:$0x3] =	sbarrier.arrive $0xFFFF;
	s2 =	simm.s32 @!p0 $0x1C0B  }
0x1a9: {  	[timem:s3], [sflag:s2] =	dma.local @!p0 [hbm:s0], s1  }
0x1aa: {  	s0 =	simm.s32 @!p0 $0xB  }
0x1ab: {  	_ =	swait.ge @!p0 [sflag:s0], s1  }
0x1ac: {  	s1 =	ssub.s32 @!p0 $0x0, s1;
	[sflag:s0] =	ssyncset.done @!p0 $0x0  }
0x1ad: {  	[sflag:s0] =	ssyncadd.s32 @!p0 s1  }
0x1ae: {  	[bflag:$0x3] =	sbarrier.arrive $0xFFFF  }
0x1af: {  	_ =	shalt  }

</sc_bundles>
